<compile_context>
chip_gen: v7x
topology: tpu7x:2x2x1
jax: 0.10.2.dev20260603
libtpu: 0.0.44.dev20260713+nightly
codegen_flags: <defaults>
</compile_context>

<pallas_src>
import functools

import jax
import jax.numpy as jnp
from jax import lax
from jax.experimental import pallas as pl
from jax.experimental.pallas import tpu as pltpu
from jax.experimental.pallas import tpu_sc as plsc


def _make_emb_kernel(B, D, NW, n_ch, CH, NB):
    b_per_w = B // NW
    n_t = n_ch // NB
    mesh = plsc.VectorSubcoreMesh(core_axis_name="c", subcore_axis_name="s")

    scratch = [pltpu.VMEM((n_ch, CH), jnp.int32)]
    scratch += [pltpu.VMEM((CH, D), jnp.float32) for _ in range(NB)]
    scratch += [pltpu.SemaphoreType.DMA for _ in range(2 * NB)]

    @functools.partial(
        pl.kernel,
        mesh=mesh,
        out_type=jax.ShapeDtypeStruct((B, D), jnp.float32),
        scratch_types=scratch,
    )
    def emb(table_hbm, idx_hbm, out_hbm, idx_v, *rest):
        bufs = rest[:NB]
        gsem = rest[NB:2 * NB]
        osem = rest[2 * NB:]
        wid = lax.axis_index("s") * 2 + lax.axis_index("c")
        base = wid * b_per_w
        pltpu.sync_copy(idx_hbm.at[wid], idx_v)

        def gather_start(j, b):
            pltpu.async_copy(table_hbm.at[idx_v.at[j]], bufs[b], gsem[b])

        def gather_wait(b):
            pltpu.make_async_copy(
                table_hbm.at[idx_v.at[0]], bufs[b], gsem[b]).wait()

        def write_start(j, b):
            pltpu.async_copy(
                bufs[b], out_hbm.at[pl.ds(base + j * CH, CH)], osem[b])

        def write_wait(b):
            pltpu.make_async_copy(
                bufs[b], out_hbm.at[pl.ds(base, CH)], osem[b]).wait()

        for b in range(NB):
            gather_start(b, b)

        def step(j, b):
            gather_wait(b)
            write_start(j, b)
            bp = (b - 1) % NB
            write_wait(bp)
            gather_start(j - 1 + NB, bp)

        gather_wait(0)
        write_start(0, 0)
        for b in range(1, NB):
            step(b, b)

        def body(t, carry):
            for b in range(NB):
                step(t * NB + b, b)
            return carry

        lax.fori_loop(1, n_t - 1, body, 0)

        j0 = (n_t - 1) * NB
        step(j0, 0)
        for b in range(1, NB):
            gather_wait(b)
            write_start(j0 + b, b)
        for b in range(NB):
            write_wait(b)

    return emb


def kernel(x, table):
    B0, B1 = x.shape
    B = B0 * B1
    D = table.shape[1]
    info = plsc.get_sparse_core_info()
    NW = info.num_cores * info.num_subcores
    CH = 64
    NB = 10
    b_per_w = B // NW
    n_ch = b_per_w // CH
    idx = x.T.reshape(NW, n_ch, CH).astype(jnp.int32)
    out = _make_emb_kernel(B, D, NW, n_ch, CH, NB)(table, idx)
    return out.reshape(B1, B0, D).transpose(1, 0, 2)

# --- scband reference (transcript-rebuilt; emitter-appended) ---
"""Pipeline reference for scband-model-55757265436729 (READ-ONLY COPY).

The authoritative reference and input builder live on the scoring server;
editing this copy changes nothing except your own understanding.
"""

import jax, jax.numpy as jnp
import numpy as np

VOCAB_SIZE = 28996
EMBEDDING_DIM = 128

def setup_inputs(seed: int = 0) -> dict:
    key = jax.random.key(seed)
    k1, k2 = jax.random.split(key)
    x = jax.random.randint(k1, (4096, 50), 0, VOCAB_SIZE, dtype=jnp.int64 if jax.config.jax_enable_x64 else jnp.int32)
    # embedding table, matching nn.Embedding default init N(0,1)
    table = jax.random.normal(k2, (VOCAB_SIZE, EMBEDDING_DIM), dtype=jnp.float32)
    return {"x": x, "table": table}

def reference(x, table):
    # nn.Embedding forward: gather rows of the table by index
    out = jnp.take(table, x, axis=0)
    return out

if __name__ == "__main__":
    import jax
    _d = setup_inputs()
    print(jax.jit(kernel)(*tuple(_d.values())))

</pallas_src>

<mosaic_0001>
#map = affine_map<(d0, d1) -> (0, 0)>
#map1 = affine_map<(d0, d1) -> (0, 0, 0)>
module attributes {stable_mosaic.version = 14 : i64} {
  func.func @emb(%arg0: i32, %arg1: i32, %arg2: memref<28996x128xf32, #tpu.memory_space<hbm>>, %arg3: memref<32x100x64xi32, #tpu.memory_space<hbm>>, %arg4: memref<204800x128xf32, #tpu.memory_space<hbm>>, %arg5: memref<100x64xi32, #tpu.memory_space<vmem>>, %arg6: memref<64x128xf32, #tpu.memory_space<vmem>>, %arg7: memref<64x128xf32, #tpu.memory_space<vmem>>, %arg8: memref<64x128xf32, #tpu.memory_space<vmem>>, %arg9: memref<64x128xf32, #tpu.memory_space<vmem>>, %arg10: memref<64x128xf32, #tpu.memory_space<vmem>>, %arg11: memref<64x128xf32, #tpu.memory_space<vmem>>, %arg12: memref<64x128xf32, #tpu.memory_space<vmem>>, %arg13: memref<64x128xf32, #tpu.memory_space<vmem>>, %arg14: memref<64x128xf32, #tpu.memory_space<vmem>>, %arg15: memref<64x128xf32, #tpu.memory_space<vmem>>, %arg16: memref<!tpu.dma_semaphore, #tpu.memory_space<semaphore_mem>>, %arg17: memref<!tpu.dma_semaphore, #tpu.memory_space<semaphore_mem>>, %arg18: memref<!tpu.dma_semaphore, #tpu.memory_space<semaphore_mem>>, %arg19: memref<!tpu.dma_semaphore, #tpu.memory_space<semaphore_mem>>, %arg20: memref<!tpu.dma_semaphore, #tpu.memory_space<semaphore_mem>>, %arg21: memref<!tpu.dma_semaphore, #tpu.memory_space<semaphore_mem>>, %arg22: memref<!tpu.dma_semaphore, #tpu.memory_space<semaphore_mem>>, %arg23: memref<!tpu.dma_semaphore, #tpu.memory_space<semaphore_mem>>, %arg24: memref<!tpu.dma_semaphore, #tpu.memory_space<semaphore_mem>>, %arg25: memref<!tpu.dma_semaphore, #tpu.memory_space<semaphore_mem>>, %arg26: memref<!tpu.dma_semaphore, #tpu.memory_space<semaphore_mem>>, %arg27: memref<!tpu.dma_semaphore, #tpu.memory_space<semaphore_mem>>, %arg28: memref<!tpu.dma_semaphore, #tpu.memory_space<semaphore_mem>>, %arg29: memref<!tpu.dma_semaphore, #tpu.memory_space<semaphore_mem>>, %arg30: memref<!tpu.dma_semaphore, #tpu.memory_space<semaphore_mem>>, %arg31: memref<!tpu.dma_semaphore, #tpu.memory_space<semaphore_mem>>, %arg32: memref<!tpu.dma_semaphore, #tpu.memory_space<semaphore_mem>>, %arg33: memref<!tpu.dma_semaphore, #tpu.memory_space<semaphore_mem>>, %arg34: memref<!tpu.dma_semaphore, #tpu.memory_space<semaphore_mem>>, %arg35: memref<!tpu.dma_semaphore, #tpu.memory_space<semaphore_mem>>) attributes {dimension_semantics = [#tpu.dimension_semantics<core_parallel>, #tpu.dimension_semantics<subcore_parallel>], iteration_bounds = array<i64: 2, 16>, scalar_prefetch = 0 : i64, scratch_operands = 31 : i64, tpu.core_type = #tpu.core_type<sc_vector_subcore>, window_params = [{transform_indices = #map}, {transform_indices = #map1}, {transform_indices = #map}]} {
    %mul3A = arith.constant 2 : i32
    %mul3A_0 = arith.muli %arg1, %mul3A : i32
    %add3A = arith.addi %mul3A_0, %arg0 : i32
    %mul3A_1 = arith.constant 6400 : i32
    %mul3A_2 = arith.muli %add3A, %mul3A_1 : i32
    "tpu.region"() ({
      %run_scoped3A = tpu.sem_alloc : memref<!tpu.dma_semaphore, #tpu.memory_space<semaphore_mem>>
      %dma_start3A_486 = arith.constant 0 : i32
      %dma_start3A_487 = arith.constant 0 : i32
      %dma_start3A_488 = tpu.memref_slice %arg3[%add3A, %dma_start3A_486, %dma_start3A_487] : memref<32x100x64xi32, #tpu.memory_space<hbm>> -> memref<1x100x64xi32, #tpu.memory_space<hbm>>
      %dma_start3A_489 = tpu.memref_squeeze %dma_start3A_488 : memref<1x100x64xi32, #tpu.memory_space<hbm>> -> memref<100x64xi32, #tpu.memory_space<hbm>>
      %dma_start3A_490 = arith.constant 0 : i32
      %dma_start3A_491 = arith.constant 0 : i32
      %dma_start3A_492 = tpu.memref_slice %arg3[%add3A, %dma_start3A_490, %dma_start3A_491] : memref<32x100x64xi32, #tpu.memory_space<hbm>> -> memref<1x100x64xi32, #tpu.memory_space<hbm>>
      %dma_start3A_493 = tpu.memref_squeeze %dma_start3A_492 : memref<1x100x64xi32, #tpu.memory_space<hbm>> -> memref<100x64xi32, #tpu.memory_space<hbm>>
      tpu.enqueue_dma source(%dma_start3A_493 : memref<100x64xi32, #tpu.memory_space<hbm>>) target(%arg5 : memref<100x64xi32, #tpu.memory_space<vmem>>) target_semaphore(%run_scoped3A : memref<!tpu.dma_semaphore, #tpu.memory_space<semaphore_mem>>)
      %dma_wait3A_494 = arith.constant 0 : i32
      %dma_wait3A_495 = arith.constant 0 : i32
      %dma_wait3A_496 = tpu.memref_slice %arg3[%add3A, %dma_wait3A_494, %dma_wait3A_495] : memref<32x100x64xi32, #tpu.memory_space<hbm>> -> memref<1x100x64xi32, #tpu.memory_space<hbm>>
      %dma_wait3A_497 = tpu.memref_squeeze %dma_wait3A_496 : memref<1x100x64xi32, #tpu.memory_space<hbm>> -> memref<100x64xi32, #tpu.memory_space<hbm>>
      %dma_wait3A_498 = arith.constant 0 : i32
      %dma_wait3A_499 = arith.constant 0 : i32
      %dma_wait3A_500 = tpu.memref_slice %arg3[%add3A, %dma_wait3A_498, %dma_wait3A_499] : memref<32x100x64xi32, #tpu.memory_space<hbm>> -> memref<1x100x64xi32, #tpu.memory_space<hbm>>
      %dma_wait3A_501 = tpu.memref_squeeze %dma_wait3A_500 : memref<1x100x64xi32, #tpu.memory_space<hbm>> -> memref<100x64xi32, #tpu.memory_space<hbm>>
      tpu.wait_dma2 semaphore(%run_scoped3A : memref<!tpu.dma_semaphore, #tpu.memory_space<semaphore_mem>>) src(%dma_wait3A_501 : memref<100x64xi32, #tpu.memory_space<hbm>>) dst(%arg5 : memref<100x64xi32, #tpu.memory_space<vmem>>)
      tpu.yield
    }) : () -> ()
    %dma_start3A = arith.constant 0 : i32
    %dma_start3A_3 = arith.constant 0 : i32
    %dma_start3A_4 = tpu.memref_slice %arg5[%dma_start3A, %dma_start3A_3] : memref<100x64xi32, #tpu.memory_space<vmem>> -> memref<1x64xi32, #tpu.memory_space<vmem>>
    %dma_start3A_5 = tpu.memref_squeeze %dma_start3A_4 : memref<1x64xi32, #tpu.memory_space<vmem>> -> memref<64xi32, #tpu.memory_space<vmem>>
    %dma_start3A_6 = arith.constant 0 : i32
    %dma_start3A_7 = arith.constant 0 : i32
    %dma_start3A_8 = tpu.memref_slice %arg2[%dma_start3A_6, %dma_start3A_7] : memref<28996x128xf32, #tpu.memory_space<hbm>> -> memref<28996x128xf32, #tpu.memory_space<hbm>>
    tpu.enqueue_indirect_dma source(%dma_start3A_8 : memref<28996x128xf32, #tpu.memory_space<hbm>>) target(%arg6 : memref<64x128xf32, #tpu.memory_space<vmem>>) offsets(%dma_start3A_5 : memref<64xi32, #tpu.memory_space<vmem>>) semaphore(%arg16 : memref<!tpu.dma_semaphore, #tpu.memory_space<semaphore_mem>>)
    %dma_start3A_9 = arith.constant 1 : i32
    %dma_start3A_10 = arith.constant 0 : i32
    %dma_start3A_11 = tpu.memref_slice %arg5[%dma_start3A_9, %dma_start3A_10] : memref<100x64xi32, #tpu.memory_space<vmem>> -> memref<1x64xi32, #tpu.memory_space<vmem>>
    %dma_start3A_12 = tpu.memref_squeeze %dma_start3A_11 : memref<1x64xi32, #tpu.memory_space<vmem>> -> memref<64xi32, #tpu.memory_space<vmem>>
    %dma_start3A_13 = arith.constant 0 : i32
    %dma_start3A_14 = arith.constant 0 : i32
    %dma_start3A_15 = tpu.memref_slice %arg2[%dma_start3A_13, %dma_start3A_14] : memref<28996x128xf32, #tpu.memory_space<hbm>> -> memref<28996x128xf32, #tpu.memory_space<hbm>>
    tpu.enqueue_indirect_dma source(%dma_start3A_15 : memref<28996x128xf32, #tpu.memory_space<hbm>>) target(%arg7 : memref<64x128xf32, #tpu.memory_space<vmem>>) offsets(%dma_start3A_12 : memref<64xi32, #tpu.memory_space<vmem>>) semaphore(%arg17 : memref<!tpu.dma_semaphore, #tpu.memory_space<semaphore_mem>>)
    %dma_start3A_16 = arith.constant 2 : i32
    %dma_start3A_17 = arith.constant 0 : i32
    %dma_start3A_18 = tpu.memref_slice %arg5[%dma_start3A_16, %dma_start3A_17] : memref<100x64xi32, #tpu.memory_space<vmem>> -> memref<1x64xi32, #tpu.memory_space<vmem>>
    %dma_start3A_19 = tpu.memref_squeeze %dma_start3A_18 : memref<1x64xi32, #tpu.memory_space<vmem>> -> memref<64xi32, #tpu.memory_space<vmem>>
    %dma_start3A_20 = arith.constant 0 : i32
    %dma_start3A_21 = arith.constant 0 : i32
    %dma_start3A_22 = tpu.memref_slice %arg2[%dma_start3A_20, %dma_start3A_21] : memref<28996x128xf32, #tpu.memory_space<hbm>> -> memref<28996x128xf32, #tpu.memory_space<hbm>>
    tpu.enqueue_indirect_dma source(%dma_start3A_22 : memref<28996x128xf32, #tpu.memory_space<hbm>>) target(%arg8 : memref<64x128xf32, #tpu.memory_space<vmem>>) offsets(%dma_start3A_19 : memref<64xi32, #tpu.memory_space<vmem>>) semaphore(%arg18 : memref<!tpu.dma_semaphore, #tpu.memory_space<semaphore_mem>>)
    %dma_start3A_23 = arith.constant 3 : i32
    %dma_start3A_24 = arith.constant 0 : i32
    %dma_start3A_25 = tpu.memref_slice %arg5[%dma_start3A_23, %dma_start3A_24] : memref<100x64xi32, #tpu.memory_space<vmem>> -> memref<1x64xi32, #tpu.memory_space<vmem>>
    %dma_start3A_26 = tpu.memref_squeeze %dma_start3A_25 : memref<1x64xi32, #tpu.memory_space<vmem>> -> memref<64xi32, #tpu.memory_space<vmem>>
    %dma_start3A_27 = arith.constant 0 : i32
    %dma_start3A_28 = arith.constant 0 : i32
    %dma_start3A_29 = tpu.memref_slice %arg2[%dma_start3A_27, %dma_start3A_28] : memref<28996x128xf32, #tpu.memory_space<hbm>> -> memref<28996x128xf32, #tpu.memory_space<hbm>>
    tpu.enqueue_indirect_dma source(%dma_start3A_29 : memref<28996x128xf32, #tpu.memory_space<hbm>>) target(%arg9 : memref<64x128xf32, #tpu.memory_space<vmem>>) offsets(%dma_start3A_26 : memref<64xi32, #tpu.memory_space<vmem>>) semaphore(%arg19 : memref<!tpu.dma_semaphore, #tpu.memory_space<semaphore_mem>>)
    %dma_start3A_30 = arith.constant 4 : i32
    %dma_start3A_31 = arith.constant 0 : i32
    %dma_start3A_32 = tpu.memref_slice %arg5[%dma_start3A_30, %dma_start3A_31] : memref<100x64xi32, #tpu.memory_space<vmem>> -> memref<1x64xi32, #tpu.memory_space<vmem>>
    %dma_start3A_33 = tpu.memref_squeeze %dma_start3A_32 : memref<1x64xi32, #tpu.memory_space<vmem>> -> memref<64xi32, #tpu.memory_space<vmem>>
    %dma_start3A_34 = arith.constant 0 : i32
    %dma_start3A_35 = arith.constant 0 : i32
    %dma_start3A_36 = tpu.memref_slice %arg2[%dma_start3A_34, %dma_start3A_35] : memref<28996x128xf32, #tpu.memory_space<hbm>> -> memref<28996x128xf32, #tpu.memory_space<hbm>>
    tpu.enqueue_indirect_dma source(%dma_start3A_36 : memref<28996x128xf32, #tpu.memory_space<hbm>>) target(%arg10 : memref<64x128xf32, #tpu.memory_space<vmem>>) offsets(%dma_start3A_33 : memref<64xi32, #tpu.memory_space<vmem>>) semaphore(%arg20 : memref<!tpu.dma_semaphore, #tpu.memory_space<semaphore_mem>>)
    %dma_start3A_37 = arith.constant 5 : i32
    %dma_start3A_38 = arith.constant 0 : i32
    %dma_start3A_39 = tpu.memref_slice %arg5[%dma_start3A_37, %dma_start3A_38] : memref<100x64xi32, #tpu.memory_space<vmem>> -> memref<1x64xi32, #tpu.memory_space<vmem>>
    %dma_start3A_40 = tpu.memref_squeeze %dma_start3A_39 : memref<1x64xi32, #tpu.memory_space<vmem>> -> memref<64xi32, #tpu.memory_space<vmem>>
    %dma_start3A_41 = arith.constant 0 : i32
    %dma_start3A_42 = arith.constant 0 : i32
    %dma_start3A_43 = tpu.memref_slice %arg2[%dma_start3A_41, %dma_start3A_42] : memref<28996x128xf32, #tpu.memory_space<hbm>> -> memref<28996x128xf32, #tpu.memory_space<hbm>>
    tpu.enqueue_indirect_dma source(%dma_start3A_43 : memref<28996x128xf32, #tpu.memory_space<hbm>>) target(%arg11 : memref<64x128xf32, #tpu.memory_space<vmem>>) offsets(%dma_start3A_40 : memref<64xi32, #tpu.memory_space<vmem>>) semaphore(%arg21 : memref<!tpu.dma_semaphore, #tpu.memory_space<semaphore_mem>>)
    %dma_start3A_44 = arith.constant 6 : i32
    %dma_start3A_45 = arith.constant 0 : i32
    %dma_start3A_46 = tpu.memref_slice %arg5[%dma_start3A_44, %dma_start3A_45] : memref<100x64xi32, #tpu.memory_space<vmem>> -> memref<1x64xi32, #tpu.memory_space<vmem>>
    %dma_start3A_47 = tpu.memref_squeeze %dma_start3A_46 : memref<1x64xi32, #tpu.memory_space<vmem>> -> memref<64xi32, #tpu.memory_space<vmem>>
    %dma_start3A_48 = arith.constant 0 : i32
    %dma_start3A_49 = arith.constant 0 : i32
    %dma_start3A_50 = tpu.memref_slice %arg2[%dma_start3A_48, %dma_start3A_49] : memref<28996x128xf32, #tpu.memory_space<hbm>> -> memref<28996x128xf32, #tpu.memory_space<hbm>>
    tpu.enqueue_indirect_dma source(%dma_start3A_50 : memref<28996x128xf32, #tpu.memory_space<hbm>>) target(%arg12 : memref<64x128xf32, #tpu.memory_space<vmem>>) offsets(%dma_start3A_47 : memref<64xi32, #tpu.memory_space<vmem>>) semaphore(%arg22 : memref<!tpu.dma_semaphore, #tpu.memory_space<semaphore_mem>>)
    %dma_start3A_51 = arith.constant 7 : i32
    %dma_start3A_52 = arith.constant 0 : i32
    %dma_start3A_53 = tpu.memref_slice %arg5[%dma_start3A_51, %dma_start3A_52] : memref<100x64xi32, #tpu.memory_space<vmem>> -> memref<1x64xi32, #tpu.memory_space<vmem>>
    %dma_start3A_54 = tpu.memref_squeeze %dma_start3A_53 : memref<1x64xi32, #tpu.memory_space<vmem>> -> memref<64xi32, #tpu.memory_space<vmem>>
    %dma_start3A_55 = arith.constant 0 : i32
    %dma_start3A_56 = arith.constant 0 : i32
    %dma_start3A_57 = tpu.memref_slice %arg2[%dma_start3A_55, %dma_start3A_56] : memref<28996x128xf32, #tpu.memory_space<hbm>> -> memref<28996x128xf32, #tpu.memory_space<hbm>>
    tpu.enqueue_indirect_dma source(%dma_start3A_57 : memref<28996x128xf32, #tpu.memory_space<hbm>>) target(%arg13 : memref<64x128xf32, #tpu.memory_space<vmem>>) offsets(%dma_start3A_54 : memref<64xi32, #tpu.memory_space<vmem>>) semaphore(%arg23 : memref<!tpu.dma_semaphore, #tpu.memory_space<semaphore_mem>>)
    %dma_start3A_58 = arith.constant 8 : i32
    %dma_start3A_59 = arith.constant 0 : i32
    %dma_start3A_60 = tpu.memref_slice %arg5[%dma_start3A_58, %dma_start3A_59] : memref<100x64xi32, #tpu.memory_space<vmem>> -> memref<1x64xi32, #tpu.memory_space<vmem>>
    %dma_start3A_61 = tpu.memref_squeeze %dma_start3A_60 : memref<1x64xi32, #tpu.memory_space<vmem>> -> memref<64xi32, #tpu.memory_space<vmem>>
    %dma_start3A_62 = arith.constant 0 : i32
    %dma_start3A_63 = arith.constant 0 : i32
    %dma_start3A_64 = tpu.memref_slice %arg2[%dma_start3A_62, %dma_start3A_63] : memref<28996x128xf32, #tpu.memory_space<hbm>> -> memref<28996x128xf32, #tpu.memory_space<hbm>>
    tpu.enqueue_indirect_dma source(%dma_start3A_64 : memref<28996x128xf32, #tpu.memory_space<hbm>>) target(%arg14 : memref<64x128xf32, #tpu.memory_space<vmem>>) offsets(%dma_start3A_61 : memref<64xi32, #tpu.memory_space<vmem>>) semaphore(%arg24 : memref<!tpu.dma_semaphore, #tpu.memory_space<semaphore_mem>>)
    %dma_start3A_65 = arith.constant 9 : i32
    %dma_start3A_66 = arith.constant 0 : i32
    %dma_start3A_67 = tpu.memref_slice %arg5[%dma_start3A_65, %dma_start3A_66] : memref<100x64xi32, #tpu.memory_space<vmem>> -> memref<1x64xi32, #tpu.memory_space<vmem>>
    %dma_start3A_68 = tpu.memref_squeeze %dma_start3A_67 : memref<1x64xi32, #tpu.memory_space<vmem>> -> memref<64xi32, #tpu.memory_space<vmem>>
    %dma_start3A_69 = arith.constant 0 : i32
    %dma_start3A_70 = arith.constant 0 : i32
    %dma_start3A_71 = tpu.memref_slice %arg2[%dma_start3A_69, %dma_start3A_70] : memref<28996x128xf32, #tpu.memory_space<hbm>> -> memref<28996x128xf32, #tpu.memory_space<hbm>>
    tpu.enqueue_indirect_dma source(%dma_start3A_71 : memref<28996x128xf32, #tpu.memory_space<hbm>>) target(%arg15 : memref<64x128xf32, #tpu.memory_space<vmem>>) offsets(%dma_start3A_68 : memref<64xi32, #tpu.memory_space<vmem>>) semaphore(%arg25 : memref<!tpu.dma_semaphore, #tpu.memory_space<semaphore_mem>>)
    %dma_wait3A = arith.constant 0 : i32
    %dma_wait3A_72 = arith.constant 0 : i32
    %dma_wait3A_73 = tpu.memref_slice %arg5[%dma_wait3A, %dma_wait3A_72] : memref<100x64xi32, #tpu.memory_space<vmem>> -> memref<1x64xi32, #tpu.memory_space<vmem>>
    %dma_wait3A_74 = tpu.memref_squeeze %dma_wait3A_73 : memref<1x64xi32, #tpu.memory_space<vmem>> -> memref<64xi32, #tpu.memory_space<vmem>>
    %dma_wait3A_75 = arith.constant 0 : i32
    %dma_wait3A_76 = arith.constant 0 : i32
    %dma_wait3A_77 = tpu.memref_slice %arg2[%dma_wait3A_75, %dma_wait3A_76] : memref<28996x128xf32, #tpu.memory_space<hbm>> -> memref<28996x128xf32, #tpu.memory_space<hbm>>
    tpu.wait_indirect_dma semaphore(%arg16 : memref<!tpu.dma_semaphore, #tpu.memory_space<semaphore_mem>>) src(%dma_wait3A_77 : memref<28996x128xf32, #tpu.memory_space<hbm>>) dst(%arg6 : memref<64x128xf32, #tpu.memory_space<vmem>>)
    %add3A_78 = arith.constant 0 : i32
    %add3A_79 = arith.addi %mul3A_2, %add3A_78 : i32
    %dma_start3A_80 = arith.constant 0 : i32
    %dma_start3A_81 = tpu.memref_slice %arg4[%add3A_79, %dma_start3A_80] : memref<204800x128xf32, #tpu.memory_space<hbm>> -> memref<64x128xf32, #tpu.memory_space<hbm>>
    %dma_start3A_82 = arith.constant 0 : i32
    %dma_start3A_83 = tpu.memref_slice %arg4[%add3A_79, %dma_start3A_82] : memref<204800x128xf32, #tpu.memory_space<hbm>> -> memref<64x128xf32, #tpu.memory_space<hbm>>
    tpu.enqueue_dma source(%arg6 : memref<64x128xf32, #tpu.memory_space<vmem>>) target(%dma_start3A_83 : memref<64x128xf32, #tpu.memory_space<hbm>>) target_semaphore(%arg26 : memref<!tpu.dma_semaphore, #tpu.memory_space<semaphore_mem>>)
    %dma_wait3A_84 = arith.constant 0 : i32
    %dma_wait3A_85 = arith.constant 0 : i32
    %dma_wait3A_86 = tpu.memref_slice %arg5[%dma_wait3A_84, %dma_wait3A_85] : memref<100x64xi32, #tpu.memory_space<vmem>> -> memref<1x64xi32, #tpu.memory_space<vmem>>
    %dma_wait3A_87 = tpu.memref_squeeze %dma_wait3A_86 : memref<1x64xi32, #tpu.memory_space<vmem>> -> memref<64xi32, #tpu.memory_space<vmem>>
    %dma_wait3A_88 = arith.constant 0 : i32
    %dma_wait3A_89 = arith.constant 0 : i32
    %dma_wait3A_90 = tpu.memref_slice %arg2[%dma_wait3A_88, %dma_wait3A_89] : memref<28996x128xf32, #tpu.memory_space<hbm>> -> memref<28996x128xf32, #tpu.memory_space<hbm>>
    tpu.wait_indirect_dma semaphore(%arg17 : memref<!tpu.dma_semaphore, #tpu.memory_space<semaphore_mem>>) src(%dma_wait3A_90 : memref<28996x128xf32, #tpu.memory_space<hbm>>) dst(%arg7 : memref<64x128xf32, #tpu.memory_space<vmem>>)
    %add3A_91 = arith.constant 64 : i32
    %add3A_92 = arith.addi %mul3A_2, %add3A_91 : i32
    %dma_start3A_93 = arith.constant 0 : i32
    %dma_start3A_94 = tpu.memref_slice %arg4[%add3A_92, %dma_start3A_93] : memref<204800x128xf32, #tpu.memory_space<hbm>> -> memref<64x128xf32, #tpu.memory_space<hbm>>
    %dma_start3A_95 = arith.constant 0 : i32
    %dma_start3A_96 = tpu.memref_slice %arg4[%add3A_92, %dma_start3A_95] : memref<204800x128xf32, #tpu.memory_space<hbm>> -> memref<64x128xf32, #tpu.memory_space<hbm>>
    tpu.enqueue_dma source(%arg7 : memref<64x128xf32, #tpu.memory_space<vmem>>) target(%dma_start3A_96 : memref<64x128xf32, #tpu.memory_space<hbm>>) target_semaphore(%arg27 : memref<!tpu.dma_semaphore, #tpu.memory_space<semaphore_mem>>)
    %dma_wait3A_97 = arith.constant 0 : i32
    %dma_wait3A_98 = tpu.memref_slice %arg4[%mul3A_2, %dma_wait3A_97] : memref<204800x128xf32, #tpu.memory_space<hbm>> -> memref<64x128xf32, #tpu.memory_space<hbm>>
    %dma_wait3A_99 = arith.constant 0 : i32
    %dma_wait3A_100 = tpu.memref_slice %arg4[%mul3A_2, %dma_wait3A_99] : memref<204800x128xf32, #tpu.memory_space<hbm>> -> memref<64x128xf32, #tpu.memory_space<hbm>>
    tpu.wait_dma2 semaphore(%arg26 : memref<!tpu.dma_semaphore, #tpu.memory_space<semaphore_mem>>) src(%arg6 : memref<64x128xf32, #tpu.memory_space<vmem>>) dst(%dma_wait3A_100 : memref<64x128xf32, #tpu.memory_space<hbm>>)
    %dma_start3A_101 = arith.constant 10 : i32
    %dma_start3A_102 = arith.constant 0 : i32
    %dma_start3A_103 = tpu.memref_slice %arg5[%dma_start3A_101, %dma_start3A_102] : memref<100x64xi32, #tpu.memory_space<vmem>> -> memref<1x64xi32, #tpu.memory_space<vmem>>
    %dma_start3A_104 = tpu.memref_squeeze %dma_start3A_103 : memref<1x64xi32, #tpu.memory_space<vmem>> -> memref<64xi32, #tpu.memory_space<vmem>>
    %dma_start3A_105 = arith.constant 0 : i32
    %dma_start3A_106 = arith.constant 0 : i32
    %dma_start3A_107 = tpu.memref_slice %arg2[%dma_start3A_105, %dma_start3A_106] : memref<28996x128xf32, #tpu.memory_space<hbm>> -> memref<28996x128xf32, #tpu.memory_space<hbm>>
    tpu.enqueue_indirect_dma source(%dma_start3A_107 : memref<28996x128xf32, #tpu.memory_space<hbm>>) target(%arg6 : memref<64x128xf32, #tpu.memory_space<vmem>>) offsets(%dma_start3A_104 : memref<64xi32, #tpu.memory_space<vmem>>) semaphore(%arg16 : memref<!tpu.dma_semaphore, #tpu.memory_space<semaphore_mem>>)
    %dma_wait3A_108 = arith.constant 0 : i32
    %dma_wait3A_109 = arith.constant 0 : i32
    %dma_wait3A_110 = tpu.memref_slice %arg5[%dma_wait3A_108, %dma_wait3A_109] : memref<100x64xi32, #tpu.memory_space<vmem>> -> memref<1x64xi32, #tpu.memory_space<vmem>>
    %dma_wait3A_111 = tpu.memref_squeeze %dma_wait3A_110 : memref<1x64xi32, #tpu.memory_space<vmem>> -> memref<64xi32, #tpu.memory_space<vmem>>
    %dma_wait3A_112 = arith.constant 0 : i32
    %dma_wait3A_113 = arith.constant 0 : i32
    %dma_wait3A_114 = tpu.memref_slice %arg2[%dma_wait3A_112, %dma_wait3A_113] : memref<28996x128xf32, #tpu.memory_space<hbm>> -> memref<28996x128xf32, #tpu.memory_space<hbm>>
    tpu.wait_indirect_dma semaphore(%arg18 : memref<!tpu.dma_semaphore, #tpu.memory_space<semaphore_mem>>) src(%dma_wait3A_114 : memref<28996x128xf32, #tpu.memory_space<hbm>>) dst(%arg8 : memref<64x128xf32, #tpu.memory_space<vmem>>)
    %add3A_115 = arith.constant 128 : i32
    %add3A_116 = arith.addi %mul3A_2, %add3A_115 : i32
    %dma_start3A_117 = arith.constant 0 : i32
    %dma_start3A_118 = tpu.memref_slice %arg4[%add3A_116, %dma_start3A_117] : memref<204800x128xf32, #tpu.memory_space<hbm>> -> memref<64x128xf32, #tpu.memory_space<hbm>>
    %dma_start3A_119 = arith.constant 0 : i32
    %dma_start3A_120 = tpu.memref_slice %arg4[%add3A_116, %dma_start3A_119] : memref<204800x128xf32, #tpu.memory_space<hbm>> -> memref<64x128xf32, #tpu.memory_space<hbm>>
    tpu.enqueue_dma source(%arg8 : memref<64x128xf32, #tpu.memory_space<vmem>>) target(%dma_start3A_120 : memref<64x128xf32, #tpu.memory_space<hbm>>) target_semaphore(%arg28 : memref<!tpu.dma_semaphore, #tpu.memory_space<semaphore_mem>>)
    %dma_wait3A_121 = arith.constant 0 : i32
    %dma_wait3A_122 = tpu.memref_slice %arg4[%mul3A_2, %dma_wait3A_121] : memref<204800x128xf32, #tpu.memory_space<hbm>> -> memref<64x128xf32, #tpu.memory_space<hbm>>
    %dma_wait3A_123 = arith.constant 0 : i32
    %dma_wait3A_124 = tpu.memref_slice %arg4[%mul3A_2, %dma_wait3A_123] : memref<204800x128xf32, #tpu.memory_space<hbm>> -> memref<64x128xf32, #tpu.memory_space<hbm>>
    tpu.wait_dma2 semaphore(%arg27 : memref<!tpu.dma_semaphore, #tpu.memory_space<semaphore_mem>>) src(%arg7 : memref<64x128xf32, #tpu.memory_space<vmem>>) dst(%dma_wait3A_124 : memref<64x128xf32, #tpu.memory_space<hbm>>)
    %dma_start3A_125 = arith.constant 11 : i32
    %dma_start3A_126 = arith.constant 0 : i32
    %dma_start3A_127 = tpu.memref_slice %arg5[%dma_start3A_125, %dma_start3A_126] : memref<100x64xi32, #tpu.memory_space<vmem>> -> memref<1x64xi32, #tpu.memory_space<vmem>>
    %dma_start3A_128 = tpu.memref_squeeze %dma_start3A_127 : memref<1x64xi32, #tpu.memory_space<vmem>> -> memref<64xi32, #tpu.memory_space<vmem>>
    %dma_start3A_129 = arith.constant 0 : i32
    %dma_start3A_130 = arith.constant 0 : i32
    %dma_start3A_131 = tpu.memref_slice %arg2[%dma_start3A_129, %dma_start3A_130] : memref<28996x128xf32, #tpu.memory_space<hbm>> -> memref<28996x128xf32, #tpu.memory_space<hbm>>
    tpu.enqueue_indirect_dma source(%dma_start3A_131 : memref<28996x128xf32, #tpu.memory_space<hbm>>) target(%arg7 : memref<64x128xf32, #tpu.memory_space<vmem>>) offsets(%dma_start3A_128 : memref<64xi32, #tpu.memory_space<vmem>>) semaphore(%arg17 : memref<!tpu.dma_semaphore, #tpu.memory_space<semaphore_mem>>)
    %dma_wait3A_132 = arith.constant 0 : i32
    %dma_wait3A_133 = arith.constant 0 : i32
    %dma_wait3A_134 = tpu.memref_slice %arg5[%dma_wait3A_132, %dma_wait3A_133] : memref<100x64xi32, #tpu.memory_space<vmem>> -> memref<1x64xi32, #tpu.memory_space<vmem>>
    %dma_wait3A_135 = tpu.memref_squeeze %dma_wait3A_134 : memref<1x64xi32, #tpu.memory_space<vmem>> -> memref<64xi32, #tpu.memory_space<vmem>>
    %dma_wait3A_136 = arith.constant 0 : i32
    %dma_wait3A_137 = arith.constant 0 : i32
    %dma_wait3A_138 = tpu.memref_slice %arg2[%dma_wait3A_136, %dma_wait3A_137] : memref<28996x128xf32, #tpu.memory_space<hbm>> -> memref<28996x128xf32, #tpu.memory_space<hbm>>
    tpu.wait_indirect_dma semaphore(%arg19 : memref<!tpu.dma_semaphore, #tpu.memory_space<semaphore_mem>>) src(%dma_wait3A_138 : memref<28996x128xf32, #tpu.memory_space<hbm>>) dst(%arg9 : memref<64x128xf32, #tpu.memory_space<vmem>>)
    %add3A_139 = arith.constant 192 : i32
    %add3A_140 = arith.addi %mul3A_2, %add3A_139 : i32
    %dma_start3A_141 = arith.constant 0 : i32
    %dma_start3A_142 = tpu.memref_slice %arg4[%add3A_140, %dma_start3A_141] : memref<204800x128xf32, #tpu.memory_space<hbm>> -> memref<64x128xf32, #tpu.memory_space<hbm>>
    %dma_start3A_143 = arith.constant 0 : i32
    %dma_start3A_144 = tpu.memref_slice %arg4[%add3A_140, %dma_start3A_143] : memref<204800x128xf32, #tpu.memory_space<hbm>> -> memref<64x128xf32, #tpu.memory_space<hbm>>
    tpu.enqueue_dma source(%arg9 : memref<64x128xf32, #tpu.memory_space<vmem>>) target(%dma_start3A_144 : memref<64x128xf32, #tpu.memory_space<hbm>>) target_semaphore(%arg29 : memref<!tpu.dma_semaphore, #tpu.memory_space<semaphore_mem>>)
    %dma_wait3A_145 = arith.constant 0 : i32
    %dma_wait3A_146 = tpu.memref_slice %arg4[%mul3A_2, %dma_wait3A_145] : memref<204800x128xf32, #tpu.memory_space<hbm>> -> memref<64x128xf32, #tpu.memory_space<hbm>>
    %dma_wait3A_147 = arith.constant 0 : i32
    %dma_wait3A_148 = tpu.memref_slice %arg4[%mul3A_2, %dma_wait3A_147] : memref<204800x128xf32, #tpu.memory_space<hbm>> -> memref<64x128xf32, #tpu.memory_space<hbm>>
    tpu.wait_dma2 semaphore(%arg28 : memref<!tpu.dma_semaphore, #tpu.memory_space<semaphore_mem>>) src(%arg8 : memref<64x128xf32, #tpu.memory_space<vmem>>) dst(%dma_wait3A_148 : memref<64x128xf32, #tpu.memory_space<hbm>>)
    %dma_start3A_149 = arith.constant 12 : i32
    %dma_start3A_150 = arith.constant 0 : i32
    %dma_start3A_151 = tpu.memref_slice %arg5[%dma_start3A_149, %dma_start3A_150] : memref<100x64xi32, #tpu.memory_space<vmem>> -> memref<1x64xi32, #tpu.memory_space<vmem>>
    %dma_start3A_152 = tpu.memref_squeeze %dma_start3A_151 : memref<1x64xi32, #tpu.memory_space<vmem>> -> memref<64xi32, #tpu.memory_space<vmem>>
    %dma_start3A_153 = arith.constant 0 : i32
    %dma_start3A_154 = arith.constant 0 : i32
    %dma_start3A_155 = tpu.memref_slice %arg2[%dma_start3A_153, %dma_start3A_154] : memref<28996x128xf32, #tpu.memory_space<hbm>> -> memref<28996x128xf32, #tpu.memory_space<hbm>>
    tpu.enqueue_indirect_dma source(%dma_start3A_155 : memref<28996x128xf32, #tpu.memory_space<hbm>>) target(%arg8 : memref<64x128xf32, #tpu.memory_space<vmem>>) offsets(%dma_start3A_152 : memref<64xi32, #tpu.memory_space<vmem>>) semaphore(%arg18 : memref<!tpu.dma_semaphore, #tpu.memory_space<semaphore_mem>>)
    %dma_wait3A_156 = arith.constant 0 : i32
    %dma_wait3A_157 = arith.constant 0 : i32
    %dma_wait3A_158 = tpu.memref_slice %arg5[%dma_wait3A_156, %dma_wait3A_157] : memref<100x64xi32, #tpu.memory_space<vmem>> -> memref<1x64xi32, #tpu.memory_space<vmem>>
    %dma_wait3A_159 = tpu.memref_squeeze %dma_wait3A_158 : memref<1x64xi32, #tpu.memory_space<vmem>> -> memref<64xi32, #tpu.memory_space<vmem>>
    %dma_wait3A_160 = arith.constant 0 : i32
    %dma_wait3A_161 = arith.constant 0 : i32
    %dma_wait3A_162 = tpu.memref_slice %arg2[%dma_wait3A_160, %dma_wait3A_161] : memref<28996x128xf32, #tpu.memory_space<hbm>> -> memref<28996x128xf32, #tpu.memory_space<hbm>>
    tpu.wait_indirect_dma semaphore(%arg20 : memref<!tpu.dma_semaphore, #tpu.memory_space<semaphore_mem>>) src(%dma_wait3A_162 : memref<28996x128xf32, #tpu.memory_space<hbm>>) dst(%arg10 : memref<64x128xf32, #tpu.memory_space<vmem>>)
    %add3A_163 = arith.constant 256 : i32
    %add3A_164 = arith.addi %mul3A_2, %add3A_163 : i32
    %dma_start3A_165 = arith.constant 0 : i32
    %dma_start3A_166 = tpu.memref_slice %arg4[%add3A_164, %dma_start3A_165] : memref<204800x128xf32, #tpu.memory_space<hbm>> -> memref<64x128xf32, #tpu.memory_space<hbm>>
    %dma_start3A_167 = arith.constant 0 : i32
    %dma_start3A_168 = tpu.memref_slice %arg4[%add3A_164, %dma_start3A_167] : memref<204800x128xf32, #tpu.memory_space<hbm>> -> memref<64x128xf32, #tpu.memory_space<hbm>>
    tpu.enqueue_dma source(%arg10 : memref<64x128xf32, #tpu.memory_space<vmem>>) target(%dma_start3A_168 : memref<64x128xf32, #tpu.memory_space<hbm>>) target_semaphore(%arg30 : memref<!tpu.dma_semaphore, #tpu.memory_space<semaphore_mem>>)
    %dma_wait3A_169 = arith.constant 0 : i32
    %dma_wait3A_170 = tpu.memref_slice %arg4[%mul3A_2, %dma_wait3A_169] : memref<204800x128xf32, #tpu.memory_space<hbm>> -> memref<64x128xf32, #tpu.memory_space<hbm>>
    %dma_wait3A_171 = arith.constant 0 : i32
    %dma_wait3A_172 = tpu.memref_slice %arg4[%mul3A_2, %dma_wait3A_171] : memref<204800x128xf32, #tpu.memory_space<hbm>> -> memref<64x128xf32, #tpu.memory_space<hbm>>
    tpu.wait_dma2 semaphore(%arg29 : memref<!tpu.dma_semaphore, #tpu.memory_space<semaphore_mem>>) src(%arg9 : memref<64x128xf32, #tpu.memory_space<vmem>>) dst(%dma_wait3A_172 : memref<64x128xf32, #tpu.memory_space<hbm>>)
    %dma_start3A_173 = arith.constant 13 : i32
    %dma_start3A_174 = arith.constant 0 : i32
    %dma_start3A_175 = tpu.memref_slice %arg5[%dma_start3A_173, %dma_start3A_174] : memref<100x64xi32, #tpu.memory_space<vmem>> -> memref<1x64xi32, #tpu.memory_space<vmem>>
    %dma_start3A_176 = tpu.memref_squeeze %dma_start3A_175 : memref<1x64xi32, #tpu.memory_space<vmem>> -> memref<64xi32, #tpu.memory_space<vmem>>
    %dma_start3A_177 = arith.constant 0 : i32
    %dma_start3A_178 = arith.constant 0 : i32
    %dma_start3A_179 = tpu.memref_slice %arg2[%dma_start3A_177, %dma_start3A_178] : memref<28996x128xf32, #tpu.memory_space<hbm>> -> memref<28996x128xf32, #tpu.memory_space<hbm>>
    tpu.enqueue_indirect_dma source(%dma_start3A_179 : memref<28996x128xf32, #tpu.memory_space<hbm>>) target(%arg9 : memref<64x128xf32, #tpu.memory_space<vmem>>) offsets(%dma_start3A_176 : memref<64xi32, #tpu.memory_space<vmem>>) semaphore(%arg19 : memref<!tpu.dma_semaphore, #tpu.memory_space<semaphore_mem>>)
    %dma_wait3A_180 = arith.constant 0 : i32
    %dma_wait3A_181 = arith.constant 0 : i32
    %dma_wait3A_182 = tpu.memref_slice %arg5[%dma_wait3A_180, %dma_wait3A_181] : memref<100x64xi32, #tpu.memory_space<vmem>> -> memref<1x64xi32, #tpu.memory_space<vmem>>
    %dma_wait3A_183 = tpu.memref_squeeze %dma_wait3A_182 : memref<1x64xi32, #tpu.memory_space<vmem>> -> memref<64xi32, #tpu.memory_space<vmem>>
    %dma_wait3A_184 = arith.constant 0 : i32
    %dma_wait3A_185 = arith.constant 0 : i32
    %dma_wait3A_186 = tpu.memref_slice %arg2[%dma_wait3A_184, %dma_wait3A_185] : memref<28996x128xf32, #tpu.memory_space<hbm>> -> memref<28996x128xf32, #tpu.memory_space<hbm>>
    tpu.wait_indirect_dma semaphore(%arg21 : memref<!tpu.dma_semaphore, #tpu.memory_space<semaphore_mem>>) src(%dma_wait3A_186 : memref<28996x128xf32, #tpu.memory_space<hbm>>) dst(%arg11 : memref<64x128xf32, #tpu.memory_space<vmem>>)
    %add3A_187 = arith.constant 320 : i32
    %add3A_188 = arith.addi %mul3A_2, %add3A_187 : i32
    %dma_start3A_189 = arith.constant 0 : i32
    %dma_start3A_190 = tpu.memref_slice %arg4[%add3A_188, %dma_start3A_189] : memref<204800x128xf32, #tpu.memory_space<hbm>> -> memref<64x128xf32, #tpu.memory_space<hbm>>
    %dma_start3A_191 = arith.constant 0 : i32
    %dma_start3A_192 = tpu.memref_slice %arg4[%add3A_188, %dma_start3A_191] : memref<204800x128xf32, #tpu.memory_space<hbm>> -> memref<64x128xf32, #tpu.memory_space<hbm>>
    tpu.enqueue_dma source(%arg11 : memref<64x128xf32, #tpu.memory_space<vmem>>) target(%dma_start3A_192 : memref<64x128xf32, #tpu.memory_space<hbm>>) target_semaphore(%arg31 : memref<!tpu.dma_semaphore, #tpu.memory_space<semaphore_mem>>)
    %dma_wait3A_193 = arith.constant 0 : i32
    %dma_wait3A_194 = tpu.memref_slice %arg4[%mul3A_2, %dma_wait3A_193] : memref<204800x128xf32, #tpu.memory_space<hbm>> -> memref<64x128xf32, #tpu.memory_space<hbm>>
    %dma_wait3A_195 = arith.constant 0 : i32
    %dma_wait3A_196 = tpu.memref_slice %arg4[%mul3A_2, %dma_wait3A_195] : memref<204800x128xf32, #tpu.memory_space<hbm>> -> memref<64x128xf32, #tpu.memory_space<hbm>>
    tpu.wait_dma2 semaphore(%arg30 : memref<!tpu.dma_semaphore, #tpu.memory_space<semaphore_mem>>) src(%arg10 : memref<64x128xf32, #tpu.memory_space<vmem>>) dst(%dma_wait3A_196 : memref<64x128xf32, #tpu.memory_space<hbm>>)
    %dma_start3A_197 = arith.constant 14 : i32
    %dma_start3A_198 = arith.constant 0 : i32
    %dma_start3A_199 = tpu.memref_slice %arg5[%dma_start3A_197, %dma_start3A_198] : memref<100x64xi32, #tpu.memory_space<vmem>> -> memref<1x64xi32, #tpu.memory_space<vmem>>
    %dma_start3A_200 = tpu.memref_squeeze %dma_start3A_199 : memref<1x64xi32, #tpu.memory_space<vmem>> -> memref<64xi32, #tpu.memory_space<vmem>>
    %dma_start3A_201 = arith.constant 0 : i32
    %dma_start3A_202 = arith.constant 0 : i32
    %dma_start3A_203 = tpu.memref_slice %arg2[%dma_start3A_201, %dma_start3A_202] : memref<28996x128xf32, #tpu.memory_space<hbm>> -> memref<28996x128xf32, #tpu.memory_space<hbm>>
    tpu.enqueue_indirect_dma source(%dma_start3A_203 : memref<28996x128xf32, #tpu.memory_space<hbm>>) target(%arg10 : memref<64x128xf32, #tpu.memory_space<vmem>>) offsets(%dma_start3A_200 : memref<64xi32, #tpu.memory_space<vmem>>) semaphore(%arg20 : memref<!tpu.dma_semaphore, #tpu.memory_space<semaphore_mem>>)
    %dma_wait3A_204 = arith.constant 0 : i32
    %dma_wait3A_205 = arith.constant 0 : i32
    %dma_wait3A_206 = tpu.memref_slice %arg5[%dma_wait3A_204, %dma_wait3A_205] : memref<100x64xi32, #tpu.memory_space<vmem>> -> memref<1x64xi32, #tpu.memory_space<vmem>>
    %dma_wait3A_207 = tpu.memref_squeeze %dma_wait3A_206 : memref<1x64xi32, #tpu.memory_space<vmem>> -> memref<64xi32, #tpu.memory_space<vmem>>
    %dma_wait3A_208 = arith.constant 0 : i32
    %dma_wait3A_209 = arith.constant 0 : i32
    %dma_wait3A_210 = tpu.memref_slice %arg2[%dma_wait3A_208, %dma_wait3A_209] : memref<28996x128xf32, #tpu.memory_space<hbm>> -> memref<28996x128xf32, #tpu.memory_space<hbm>>
    tpu.wait_indirect_dma semaphore(%arg22 : memref<!tpu.dma_semaphore, #tpu.memory_space<semaphore_mem>>) src(%dma_wait3A_210 : memref<28996x128xf32, #tpu.memory_space<hbm>>) dst(%arg12 : memref<64x128xf32, #tpu.memory_space<vmem>>)
    %add3A_211 = arith.constant 384 : i32
    %add3A_212 = arith.addi %mul3A_2, %add3A_211 : i32
    %dma_start3A_213 = arith.constant 0 : i32
    %dma_start3A_214 = tpu.memref_slice %arg4[%add3A_212, %dma_start3A_213] : memref<204800x128xf32, #tpu.memory_space<hbm>> -> memref<64x128xf32, #tpu.memory_space<hbm>>
    %dma_start3A_215 = arith.constant 0 : i32
    %dma_start3A_216 = tpu.memref_slice %arg4[%add3A_212, %dma_start3A_215] : memref<204800x128xf32, #tpu.memory_space<hbm>> -> memref<64x128xf32, #tpu.memory_space<hbm>>
    tpu.enqueue_dma source(%arg12 : memref<64x128xf32, #tpu.memory_space<vmem>>) target(%dma_start3A_216 : memref<64x128xf32, #tpu.memory_space<hbm>>) target_semaphore(%arg32 : memref<!tpu.dma_semaphore, #tpu.memory_space<semaphore_mem>>)
    %dma_wait3A_217 = arith.constant 0 : i32
    %dma_wait3A_218 = tpu.memref_slice %arg4[%mul3A_2, %dma_wait3A_217] : memref<204800x128xf32, #tpu.memory_space<hbm>> -> memref<64x128xf32, #tpu.memory_space<hbm>>
    %dma_wait3A_219 = arith.constant 0 : i32
    %dma_wait3A_220 = tpu.memref_slice %arg4[%mul3A_2, %dma_wait3A_219] : memref<204800x128xf32, #tpu.memory_space<hbm>> -> memref<64x128xf32, #tpu.memory_space<hbm>>
    tpu.wait_dma2 semaphore(%arg31 : memref<!tpu.dma_semaphore, #tpu.memory_space<semaphore_mem>>) src(%arg11 : memref<64x128xf32, #tpu.memory_space<vmem>>) dst(%dma_wait3A_220 : memref<64x128xf32, #tpu.memory_space<hbm>>)
    %dma_start3A_221 = arith.constant 15 : i32
    %dma_start3A_222 = arith.constant 0 : i32
    %dma_start3A_223 = tpu.memref_slice %arg5[%dma_start3A_221, %dma_start3A_222] : memref<100x64xi32, #tpu.memory_space<vmem>> -> memref<1x64xi32, #tpu.memory_space<vmem>>
    %dma_start3A_224 = tpu.memref_squeeze %dma_start3A_223 : memref<1x64xi32, #tpu.memory_space<vmem>> -> memref<64xi32, #tpu.memory_space<vmem>>
    %dma_start3A_225 = arith.constant 0 : i32
    %dma_start3A_226 = arith.constant 0 : i32
    %dma_start3A_227 = tpu.memref_slice %arg2[%dma_start3A_225, %dma_start3A_226] : memref<28996x128xf32, #tpu.memory_space<hbm>> -> memref<28996x128xf32, #tpu.memory_space<hbm>>
    tpu.enqueue_indirect_dma source(%dma_start3A_227 : memref<28996x128xf32, #tpu.memory_space<hbm>>) target(%arg11 : memref<64x128xf32, #tpu.memory_space<vmem>>) offsets(%dma_start3A_224 : memref<64xi32, #tpu.memory_space<vmem>>) semaphore(%arg21 : memref<!tpu.dma_semaphore, #tpu.memory_space<semaphore_mem>>)
    %dma_wait3A_228 = arith.constant 0 : i32
    %dma_wait3A_229 = arith.constant 0 : i32
    %dma_wait3A_230 = tpu.memref_slice %arg5[%dma_wait3A_228, %dma_wait3A_229] : memref<100x64xi32, #tpu.memory_space<vmem>> -> memref<1x64xi32, #tpu.memory_space<vmem>>
    %dma_wait3A_231 = tpu.memref_squeeze %dma_wait3A_230 : memref<1x64xi32, #tpu.memory_space<vmem>> -> memref<64xi32, #tpu.memory_space<vmem>>
    %dma_wait3A_232 = arith.constant 0 : i32
    %dma_wait3A_233 = arith.constant 0 : i32
    %dma_wait3A_234 = tpu.memref_slice %arg2[%dma_wait3A_232, %dma_wait3A_233] : memref<28996x128xf32, #tpu.memory_space<hbm>> -> memref<28996x128xf32, #tpu.memory_space<hbm>>
    tpu.wait_indirect_dma semaphore(%arg23 : memref<!tpu.dma_semaphore, #tpu.memory_space<semaphore_mem>>) src(%dma_wait3A_234 : memref<28996x128xf32, #tpu.memory_space<hbm>>) dst(%arg13 : memref<64x128xf32, #tpu.memory_space<vmem>>)
    %add3A_235 = arith.constant 448 : i32
    %add3A_236 = arith.addi %mul3A_2, %add3A_235 : i32
    %dma_start3A_237 = arith.constant 0 : i32
    %dma_start3A_238 = tpu.memref_slice %arg4[%add3A_236, %dma_start3A_237] : memref<204800x128xf32, #tpu.memory_space<hbm>> -> memref<64x128xf32, #tpu.memory_space<hbm>>
    %dma_start3A_239 = arith.constant 0 : i32
    %dma_start3A_240 = tpu.memref_slice %arg4[%add3A_236, %dma_start3A_239] : memref<204800x128xf32, #tpu.memory_space<hbm>> -> memref<64x128xf32, #tpu.memory_space<hbm>>
    tpu.enqueue_dma source(%arg13 : memref<64x128xf32, #tpu.memory_space<vmem>>) target(%dma_start3A_240 : memref<64x128xf32, #tpu.memory_space<hbm>>) target_semaphore(%arg33 : memref<!tpu.dma_semaphore, #tpu.memory_space<semaphore_mem>>)
    %dma_wait3A_241 = arith.constant 0 : i32
    %dma_wait3A_242 = tpu.memref_slice %arg4[%mul3A_2, %dma_wait3A_241] : memref<204800x128xf32, #tpu.memory_space<hbm>> -> memref<64x128xf32, #tpu.memory_space<hbm>>
    %dma_wait3A_243 = arith.constant 0 : i32
    %dma_wait3A_244 = tpu.memref_slice %arg4[%mul3A_2, %dma_wait3A_243] : memref<204800x128xf32, #tpu.memory_space<hbm>> -> memref<64x128xf32, #tpu.memory_space<hbm>>
    tpu.wait_dma2 semaphore(%arg32 : memref<!tpu.dma_semaphore, #tpu.memory_space<semaphore_mem>>) src(%arg12 : memref<64x128xf32, #tpu.memory_space<vmem>>) dst(%dma_wait3A_244 : memref<64x128xf32, #tpu.memory_space<hbm>>)
    %dma_start3A_245 = arith.constant 16 : i32
    %dma_start3A_246 = arith.constant 0 : i32
    %dma_start3A_247 = tpu.memref_slice %arg5[%dma_start3A_245, %dma_start3A_246] : memref<100x64xi32, #tpu.memory_space<vmem>> -> memref<1x64xi32, #tpu.memory_space<vmem>>
    %dma_start3A_248 = tpu.memref_squeeze %dma_start3A_247 : memref<1x64xi32, #tpu.memory_space<vmem>> -> memref<64xi32, #tpu.memory_space<vmem>>
    %dma_start3A_249 = arith.constant 0 : i32
    %dma_start3A_250 = arith.constant 0 : i32
    %dma_start3A_251 = tpu.memref_slice %arg2[%dma_start3A_249, %dma_start3A_250] : memref<28996x128xf32, #tpu.memory_space<hbm>> -> memref<28996x128xf32, #tpu.memory_space<hbm>>
    tpu.enqueue_indirect_dma source(%dma_start3A_251 : memref<28996x128xf32, #tpu.memory_space<hbm>>) target(%arg12 : memref<64x128xf32, #tpu.memory_space<vmem>>) offsets(%dma_start3A_248 : memref<64xi32, #tpu.memory_space<vmem>>) semaphore(%arg22 : memref<!tpu.dma_semaphore, #tpu.memory_space<semaphore_mem>>)
    %dma_wait3A_252 = arith.constant 0 : i32
    %dma_wait3A_253 = arith.constant 0 : i32
    %dma_wait3A_254 = tpu.memref_slice %arg5[%dma_wait3A_252, %dma_wait3A_253] : memref<100x64xi32, #tpu.memory_space<vmem>> -> memref<1x64xi32, #tpu.memory_space<vmem>>
    %dma_wait3A_255 = tpu.memref_squeeze %dma_wait3A_254 : memref<1x64xi32, #tpu.memory_space<vmem>> -> memref<64xi32, #tpu.memory_space<vmem>>
    %dma_wait3A_256 = arith.constant 0 : i32
    %dma_wait3A_257 = arith.constant 0 : i32
    %dma_wait3A_258 = tpu.memref_slice %arg2[%dma_wait3A_256, %dma_wait3A_257] : memref<28996x128xf32, #tpu.memory_space<hbm>> -> memref<28996x128xf32, #tpu.memory_space<hbm>>
    tpu.wait_indirect_dma semaphore(%arg24 : memref<!tpu.dma_semaphore, #tpu.memory_space<semaphore_mem>>) src(%dma_wait3A_258 : memref<28996x128xf32, #tpu.memory_space<hbm>>) dst(%arg14 : memref<64x128xf32, #tpu.memory_space<vmem>>)
    %add3A_259 = arith.constant 512 : i32
    %add3A_260 = arith.addi %mul3A_2, %add3A_259 : i32
    %dma_start3A_261 = arith.constant 0 : i32
    %dma_start3A_262 = tpu.memref_slice %arg4[%add3A_260, %dma_start3A_261] : memref<204800x128xf32, #tpu.memory_space<hbm>> -> memref<64x128xf32, #tpu.memory_space<hbm>>
    %dma_start3A_263 = arith.constant 0 : i32
    %dma_start3A_264 = tpu.memref_slice %arg4[%add3A_260, %dma_start3A_263] : memref<204800x128xf32, #tpu.memory_space<hbm>> -> memref<64x128xf32, #tpu.memory_space<hbm>>
    tpu.enqueue_dma source(%arg14 : memref<64x128xf32, #tpu.memory_space<vmem>>) target(%dma_start3A_264 : memref<64x128xf32, #tpu.memory_space<hbm>>) target_semaphore(%arg34 : memref<!tpu.dma_semaphore, #tpu.memory_space<semaphore_mem>>)
    %dma_wait3A_265 = arith.constant 0 : i32
    %dma_wait3A_266 = tpu.memref_slice %arg4[%mul3A_2, %dma_wait3A_265] : memref<204800x128xf32, #tpu.memory_space<hbm>> -> memref<64x128xf32, #tpu.memory_space<hbm>>
    %dma_wait3A_267 = arith.constant 0 : i32
    %dma_wait3A_268 = tpu.memref_slice %arg4[%mul3A_2, %dma_wait3A_267] : memref<204800x128xf32, #tpu.memory_space<hbm>> -> memref<64x128xf32, #tpu.memory_space<hbm>>
    tpu.wait_dma2 semaphore(%arg33 : memref<!tpu.dma_semaphore, #tpu.memory_space<semaphore_mem>>) src(%arg13 : memref<64x128xf32, #tpu.memory_space<vmem>>) dst(%dma_wait3A_268 : memref<64x128xf32, #tpu.memory_space<hbm>>)
    %dma_start3A_269 = arith.constant 17 : i32
    %dma_start3A_270 = arith.constant 0 : i32
    %dma_start3A_271 = tpu.memref_slice %arg5[%dma_start3A_269, %dma_start3A_270] : memref<100x64xi32, #tpu.memory_space<vmem>> -> memref<1x64xi32, #tpu.memory_space<vmem>>
    %dma_start3A_272 = tpu.memref_squeeze %dma_start3A_271 : memref<1x64xi32, #tpu.memory_space<vmem>> -> memref<64xi32, #tpu.memory_space<vmem>>
    %dma_start3A_273 = arith.constant 0 : i32
    %dma_start3A_274 = arith.constant 0 : i32
    %dma_start3A_275 = tpu.memref_slice %arg2[%dma_start3A_273, %dma_start3A_274] : memref<28996x128xf32, #tpu.memory_space<hbm>> -> memref<28996x128xf32, #tpu.memory_space<hbm>>
    tpu.enqueue_indirect_dma source(%dma_start3A_275 : memref<28996x128xf32, #tpu.memory_space<hbm>>) target(%arg13 : memref<64x128xf32, #tpu.memory_space<vmem>>) offsets(%dma_start3A_272 : memref<64xi32, #tpu.memory_space<vmem>>) semaphore(%arg23 : memref<!tpu.dma_semaphore, #tpu.memory_space<semaphore_mem>>)
    %dma_wait3A_276 = arith.constant 0 : i32
    %dma_wait3A_277 = arith.constant 0 : i32
    %dma_wait3A_278 = tpu.memref_slice %arg5[%dma_wait3A_276, %dma_wait3A_277] : memref<100x64xi32, #tpu.memory_space<vmem>> -> memref<1x64xi32, #tpu.memory_space<vmem>>
    %dma_wait3A_279 = tpu.memref_squeeze %dma_wait3A_278 : memref<1x64xi32, #tpu.memory_space<vmem>> -> memref<64xi32, #tpu.memory_space<vmem>>
    %dma_wait3A_280 = arith.constant 0 : i32
    %dma_wait3A_281 = arith.constant 0 : i32
    %dma_wait3A_282 = tpu.memref_slice %arg2[%dma_wait3A_280, %dma_wait3A_281] : memref<28996x128xf32, #tpu.memory_space<hbm>> -> memref<28996x128xf32, #tpu.memory_space<hbm>>
    tpu.wait_indirect_dma semaphore(%arg25 : memref<!tpu.dma_semaphore, #tpu.memory_space<semaphore_mem>>) src(%dma_wait3A_282 : memref<28996x128xf32, #tpu.memory_space<hbm>>) dst(%arg15 : memref<64x128xf32, #tpu.memory_space<vmem>>)
    %add3A_283 = arith.constant 576 : i32
    %add3A_284 = arith.addi %mul3A_2, %add3A_283 : i32
    %dma_start3A_285 = arith.constant 0 : i32
    %dma_start3A_286 = tpu.memref_slice %arg4[%add3A_284, %dma_start3A_285] : memref<204800x128xf32, #tpu.memory_space<hbm>> -> memref<64x128xf32, #tpu.memory_space<hbm>>
    %dma_start3A_287 = arith.constant 0 : i32
    %dma_start3A_288 = tpu.memref_slice %arg4[%add3A_284, %dma_start3A_287] : memref<204800x128xf32, #tpu.memory_space<hbm>> -> memref<64x128xf32, #tpu.memory_space<hbm>>
    tpu.enqueue_dma source(%arg15 : memref<64x128xf32, #tpu.memory_space<vmem>>) target(%dma_start3A_288 : memref<64x128xf32, #tpu.memory_space<hbm>>) target_semaphore(%arg35 : memref<!tpu.dma_semaphore, #tpu.memory_space<semaphore_mem>>)
    %dma_wait3A_289 = arith.constant 0 : i32
    %dma_wait3A_290 = tpu.memref_slice %arg4[%mul3A_2, %dma_wait3A_289] : memref<204800x128xf32, #tpu.memory_space<hbm>> -> memref<64x128xf32, #tpu.memory_space<hbm>>
    %dma_wait3A_291 = arith.constant 0 : i32
    %dma_wait3A_292 = tpu.memref_slice %arg4[%mul3A_2, %dma_wait3A_291] : memref<204800x128xf32, #tpu.memory_space<hbm>> -> memref<64x128xf32, #tpu.memory_space<hbm>>
    tpu.wait_dma2 semaphore(%arg34 : memref<!tpu.dma_semaphore, #tpu.memory_space<semaphore_mem>>) src(%arg14 : memref<64x128xf32, #tpu.memory_space<vmem>>) dst(%dma_wait3A_292 : memref<64x128xf32, #tpu.memory_space<hbm>>)
    %dma_start3A_293 = arith.constant 18 : i32
    %dma_start3A_294 = arith.constant 0 : i32
    %dma_start3A_295 = tpu.memref_slice %arg5[%dma_start3A_293, %dma_start3A_294] : memref<100x64xi32, #tpu.memory_space<vmem>> -> memref<1x64xi32, #tpu.memory_space<vmem>>
    %dma_start3A_296 = tpu.memref_squeeze %dma_start3A_295 : memref<1x64xi32, #tpu.memory_space<vmem>> -> memref<64xi32, #tpu.memory_space<vmem>>
    %dma_start3A_297 = arith.constant 0 : i32
    %dma_start3A_298 = arith.constant 0 : i32
    %dma_start3A_299 = tpu.memref_slice %arg2[%dma_start3A_297, %dma_start3A_298] : memref<28996x128xf32, #tpu.memory_space<hbm>> -> memref<28996x128xf32, #tpu.memory_space<hbm>>
    tpu.enqueue_indirect_dma source(%dma_start3A_299 : memref<28996x128xf32, #tpu.memory_space<hbm>>) target(%arg14 : memref<64x128xf32, #tpu.memory_space<vmem>>) offsets(%dma_start3A_296 : memref<64xi32, #tpu.memory_space<vmem>>) semaphore(%arg24 : memref<!tpu.dma_semaphore, #tpu.memory_space<semaphore_mem>>)
    %scan3A = arith.constant 0 : i32
    %scan3A_300 = arith.constant 1 : i32
    %scan3A_301 = arith.constant 8 : i32
    %scan3A_302 = arith.addi %scan3A_300, %scan3A_301 : i32
    %scan3A_303 = arith.constant 1 : i32
    scf.for %scan3A_486 = %scan3A_300 to %scan3A_302 step %scan3A_303  : i32 {
      %mul3A_487 = arith.constant 10 : i32
      %mul3A_488 = arith.muli %scan3A_486, %mul3A_487 : i32
      %add3A_489 = arith.constant 0 : i32
      %add3A_490 = arith.addi %mul3A_488, %add3A_489 : i32
      %dma_wait3A_491 = arith.constant 0 : i32
      %dma_wait3A_492 = arith.constant 0 : i32
      %dma_wait3A_493 = tpu.memref_slice %arg5[%dma_wait3A_491, %dma_wait3A_492] : memref<100x64xi32, #tpu.memory_space<vmem>> -> memref<1x64xi32, #tpu.memory_space<vmem>>
      %dma_wait3A_494 = tpu.memref_squeeze %dma_wait3A_493 : memref<1x64xi32, #tpu.memory_space<vmem>> -> memref<64xi32, #tpu.memory_space<vmem>>
      %dma_wait3A_495 = arith.constant 0 : i32
      %dma_wait3A_496 = arith.constant 0 : i32
      %dma_wait3A_497 = tpu.memref_slice %arg2[%dma_wait3A_495, %dma_wait3A_496] : memref<28996x128xf32, #tpu.memory_space<hbm>> -> memref<28996x128xf32, #tpu.memory_space<hbm>>
      tpu.wait_indirect_dma semaphore(%arg16 : memref<!tpu.dma_semaphore, #tpu.memory_space<semaphore_mem>>) src(%dma_wait3A_497 : memref<28996x128xf32, #tpu.memory_space<hbm>>) dst(%arg6 : memref<64x128xf32, #tpu.memory_space<vmem>>)
      %mul3A_498 = arith.constant 64 : i32
      %mul3A_499 = arith.muli %add3A_490, %mul3A_498 : i32
      %add3A_500 = arith.addi %mul3A_2, %mul3A_499 : i32
      %dma_start3A_501 = arith.constant 0 : i32
      %dma_start3A_502 = tpu.memref_slice %arg4[%add3A_500, %dma_start3A_501] : memref<204800x128xf32, #tpu.memory_space<hbm>> -> memref<64x128xf32, #tpu.memory_space<hbm>>
      %dma_start3A_503 = arith.constant 0 : i32
      %dma_start3A_504 = tpu.memref_slice %arg4[%add3A_500, %dma_start3A_503] : memref<204800x128xf32, #tpu.memory_space<hbm>> -> memref<64x128xf32, #tpu.memory_space<hbm>>
      tpu.enqueue_dma source(%arg6 : memref<64x128xf32, #tpu.memory_space<vmem>>) target(%dma_start3A_504 : memref<64x128xf32, #tpu.memory_space<hbm>>) target_semaphore(%arg26 : memref<!tpu.dma_semaphore, #tpu.memory_space<semaphore_mem>>)
      %dma_wait3A_505 = arith.constant 0 : i32
      %dma_wait3A_506 = tpu.memref_slice %arg4[%mul3A_2, %dma_wait3A_505] : memref<204800x128xf32, #tpu.memory_space<hbm>> -> memref<64x128xf32, #tpu.memory_space<hbm>>
      %dma_wait3A_507 = arith.constant 0 : i32
      %dma_wait3A_508 = tpu.memref_slice %arg4[%mul3A_2, %dma_wait3A_507] : memref<204800x128xf32, #tpu.memory_space<hbm>> -> memref<64x128xf32, #tpu.memory_space<hbm>>
      tpu.wait_dma2 semaphore(%arg35 : memref<!tpu.dma_semaphore, #tpu.memory_space<semaphore_mem>>) src(%arg15 : memref<64x128xf32, #tpu.memory_space<vmem>>) dst(%dma_wait3A_508 : memref<64x128xf32, #tpu.memory_space<hbm>>)
      %sub3A = arith.constant 1 : i32
      %sub3A_509 = arith.subi %add3A_490, %sub3A : i32
      %add3A_510 = arith.constant 10 : i32
      %add3A_511 = arith.addi %sub3A_509, %add3A_510 : i32
      %dma_start3A_512 = arith.constant 0 : i32
      %dma_start3A_513 = tpu.memref_slice %arg5[%add3A_511, %dma_start3A_512] : memref<100x64xi32, #tpu.memory_space<vmem>> -> memref<1x64xi32, #tpu.memory_space<vmem>>
      %dma_start3A_514 = tpu.memref_squeeze %dma_start3A_513 : memref<1x64xi32, #tpu.memory_space<vmem>> -> memref<64xi32, #tpu.memory_space<vmem>>
      %dma_start3A_515 = arith.constant 0 : i32
      %dma_start3A_516 = arith.constant 0 : i32
      %dma_start3A_517 = tpu.memref_slice %arg2[%dma_start3A_515, %dma_start3A_516] : memref<28996x128xf32, #tpu.memory_space<hbm>> -> memref<28996x128xf32, #tpu.memory_space<hbm>>
      tpu.enqueue_indirect_dma source(%dma_start3A_517 : memref<28996x128xf32, #tpu.memory_space<hbm>>) target(%arg15 : memref<64x128xf32, #tpu.memory_space<vmem>>) offsets(%dma_start3A_514 : memref<64xi32, #tpu.memory_space<vmem>>) semaphore(%arg25 : memref<!tpu.dma_semaphore, #tpu.memory_space<semaphore_mem>>)
      %mul3A_518 = arith.constant 10 : i32
      %mul3A_519 = arith.muli %scan3A_486, %mul3A_518 : i32
      %add3A_520 = arith.constant 1 : i32
      %add3A_521 = arith.addi %mul3A_519, %add3A_520 : i32
      %dma_wait3A_522 = arith.constant 0 : i32
      %dma_wait3A_523 = arith.constant 0 : i32
      %dma_wait3A_524 = tpu.memref_slice %arg5[%dma_wait3A_522, %dma_wait3A_523] : memref<100x64xi32, #tpu.memory_space<vmem>> -> memref<1x64xi32, #tpu.memory_space<vmem>>
      %dma_wait3A_525 = tpu.memref_squeeze %dma_wait3A_524 : memref<1x64xi32, #tpu.memory_space<vmem>> -> memref<64xi32, #tpu.memory_space<vmem>>
      %dma_wait3A_526 = arith.constant 0 : i32
      %dma_wait3A_527 = arith.constant 0 : i32
      %dma_wait3A_528 = tpu.memref_slice %arg2[%dma_wait3A_526, %dma_wait3A_527] : memref<28996x128xf32, #tpu.memory_space<hbm>> -> memref<28996x128xf32, #tpu.memory_space<hbm>>
      tpu.wait_indirect_dma semaphore(%arg17 : memref<!tpu.dma_semaphore, #tpu.memory_space<semaphore_mem>>) src(%dma_wait3A_528 : memref<28996x128xf32, #tpu.memory_space<hbm>>) dst(%arg7 : memref<64x128xf32, #tpu.memory_space<vmem>>)
      %mul3A_529 = arith.constant 64 : i32
      %mul3A_530 = arith.muli %add3A_521, %mul3A_529 : i32
      %add3A_531 = arith.addi %mul3A_2, %mul3A_530 : i32
      %dma_start3A_532 = arith.constant 0 : i32
      %dma_start3A_533 = tpu.memref_slice %arg4[%add3A_531, %dma_start3A_532] : memref<204800x128xf32, #tpu.memory_space<hbm>> -> memref<64x128xf32, #tpu.memory_space<hbm>>
      %dma_start3A_534 = arith.constant 0 : i32
      %dma_start3A_535 = tpu.memref_slice %arg4[%add3A_531, %dma_start3A_534] : memref<204800x128xf32, #tpu.memory_space<hbm>> -> memref<64x128xf32, #tpu.memory_space<hbm>>
      tpu.enqueue_dma source(%arg7 : memref<64x128xf32, #tpu.memory_space<vmem>>) target(%dma_start3A_535 : memref<64x128xf32, #tpu.memory_space<hbm>>) target_semaphore(%arg27 : memref<!tpu.dma_semaphore, #tpu.memory_space<semaphore_mem>>)
      %dma_wait3A_536 = arith.constant 0 : i32
      %dma_wait3A_537 = tpu.memref_slice %arg4[%mul3A_2, %dma_wait3A_536] : memref<204800x128xf32, #tpu.memory_space<hbm>> -> memref<64x128xf32, #tpu.memory_space<hbm>>
      %dma_wait3A_538 = arith.constant 0 : i32
      %dma_wait3A_539 = tpu.memref_slice %arg4[%mul3A_2, %dma_wait3A_538] : memref<204800x128xf32, #tpu.memory_space<hbm>> -> memref<64x128xf32, #tpu.memory_space<hbm>>
      tpu.wait_dma2 semaphore(%arg26 : memref<!tpu.dma_semaphore, #tpu.memory_space<semaphore_mem>>) src(%arg6 : memref<64x128xf32, #tpu.memory_space<vmem>>) dst(%dma_wait3A_539 : memref<64x128xf32, #tpu.memory_space<hbm>>)
      %sub3A_540 = arith.constant 1 : i32
      %sub3A_541 = arith.subi %add3A_521, %sub3A_540 : i32
      %add3A_542 = arith.constant 10 : i32
      %add3A_543 = arith.addi %sub3A_541, %add3A_542 : i32
      %dma_start3A_544 = arith.constant 0 : i32
      %dma_start3A_545 = tpu.memref_slice %arg5[%add3A_543, %dma_start3A_544] : memref<100x64xi32, #tpu.memory_space<vmem>> -> memref<1x64xi32, #tpu.memory_space<vmem>>
      %dma_start3A_546 = tpu.memref_squeeze %dma_start3A_545 : memref<1x64xi32, #tpu.memory_space<vmem>> -> memref<64xi32, #tpu.memory_space<vmem>>
      %dma_start3A_547 = arith.constant 0 : i32
      %dma_start3A_548 = arith.constant 0 : i32
      %dma_start3A_549 = tpu.memref_slice %arg2[%dma_start3A_547, %dma_start3A_548] : memref<28996x128xf32, #tpu.memory_space<hbm>> -> memref<28996x128xf32, #tpu.memory_space<hbm>>
      tpu.enqueue_indirect_dma source(%dma_start3A_549 : memref<28996x128xf32, #tpu.memory_space<hbm>>) target(%arg6 : memref<64x128xf32, #tpu.memory_space<vmem>>) offsets(%dma_start3A_546 : memref<64xi32, #tpu.memory_space<vmem>>) semaphore(%arg16 : memref<!tpu.dma_semaphore, #tpu.memory_space<semaphore_mem>>)
      %mul3A_550 = arith.constant 10 : i32
      %mul3A_551 = arith.muli %scan3A_486, %mul3A_550 : i32
      %add3A_552 = arith.constant 2 : i32
      %add3A_553 = arith.addi %mul3A_551, %add3A_552 : i32
      %dma_wait3A_554 = arith.constant 0 : i32
      %dma_wait3A_555 = arith.constant 0 : i32
      %dma_wait3A_556 = tpu.memref_slice %arg5[%dma_wait3A_554, %dma_wait3A_555] : memref<100x64xi32, #tpu.memory_space<vmem>> -> memref<1x64xi32, #tpu.memory_space<vmem>>
      %dma_wait3A_557 = tpu.memref_squeeze %dma_wait3A_556 : memref<1x64xi32, #tpu.memory_space<vmem>> -> memref<64xi32, #tpu.memory_space<vmem>>
      %dma_wait3A_558 = arith.constant 0 : i32
      %dma_wait3A_559 = arith.constant 0 : i32
      %dma_wait3A_560 = tpu.memref_slice %arg2[%dma_wait3A_558, %dma_wait3A_559] : memref<28996x128xf32, #tpu.memory_space<hbm>> -> memref<28996x128xf32, #tpu.memory_space<hbm>>
      tpu.wait_indirect_dma semaphore(%arg18 : memref<!tpu.dma_semaphore, #tpu.memory_space<semaphore_mem>>) src(%dma_wait3A_560 : memref<28996x128xf32, #tpu.memory_space<hbm>>) dst(%arg8 : memref<64x128xf32, #tpu.memory_space<vmem>>)
      %mul3A_561 = arith.constant 64 : i32
      %mul3A_562 = arith.muli %add3A_553, %mul3A_561 : i32
      %add3A_563 = arith.addi %mul3A_2, %mul3A_562 : i32
      %dma_start3A_564 = arith.constant 0 : i32
      %dma_start3A_565 = tpu.memref_slice %arg4[%add3A_563, %dma_start3A_564] : memref<204800x128xf32, #tpu.memory_space<hbm>> -> memref<64x128xf32, #tpu.memory_space<hbm>>
      %dma_start3A_566 = arith.constant 0 : i32
      %dma_start3A_567 = tpu.memref_slice %arg4[%add3A_563, %dma_start3A_566] : memref<204800x128xf32, #tpu.memory_space<hbm>> -> memref<64x128xf32, #tpu.memory_space<hbm>>
      tpu.enqueue_dma source(%arg8 : memref<64x128xf32, #tpu.memory_space<vmem>>) target(%dma_start3A_567 : memref<64x128xf32, #tpu.memory_space<hbm>>) target_semaphore(%arg28 : memref<!tpu.dma_semaphore, #tpu.memory_space<semaphore_mem>>)
      %dma_wait3A_568 = arith.constant 0 : i32
      %dma_wait3A_569 = tpu.memref_slice %arg4[%mul3A_2, %dma_wait3A_568] : memref<204800x128xf32, #tpu.memory_space<hbm>> -> memref<64x128xf32, #tpu.memory_space<hbm>>
      %dma_wait3A_570 = arith.constant 0 : i32
      %dma_wait3A_571 = tpu.memref_slice %arg4[%mul3A_2, %dma_wait3A_570] : memref<204800x128xf32, #tpu.memory_space<hbm>> -> memref<64x128xf32, #tpu.memory_space<hbm>>
      tpu.wait_dma2 semaphore(%arg27 : memref<!tpu.dma_semaphore, #tpu.memory_space<semaphore_mem>>) src(%arg7 : memref<64x128xf32, #tpu.memory_space<vmem>>) dst(%dma_wait3A_571 : memref<64x128xf32, #tpu.memory_space<hbm>>)
      %sub3A_572 = arith.constant 1 : i32
      %sub3A_573 = arith.subi %add3A_553, %sub3A_572 : i32
      %add3A_574 = arith.constant 10 : i32
      %add3A_575 = arith.addi %sub3A_573, %add3A_574 : i32
      %dma_start3A_576 = arith.constant 0 : i32
      %dma_start3A_577 = tpu.memref_slice %arg5[%add3A_575, %dma_start3A_576] : memref<100x64xi32, #tpu.memory_space<vmem>> -> memref<1x64xi32, #tpu.memory_space<vmem>>
      %dma_start3A_578 = tpu.memref_squeeze %dma_start3A_577 : memref<1x64xi32, #tpu.memory_space<vmem>> -> memref<64xi32, #tpu.memory_space<vmem>>
      %dma_start3A_579 = arith.constant 0 : i32
      %dma_start3A_580 = arith.constant 0 : i32
      %dma_start3A_581 = tpu.memref_slice %arg2[%dma_start3A_579, %dma_start3A_580] : memref<28996x128xf32, #tpu.memory_space<hbm>> -> memref<28996x128xf32, #tpu.memory_space<hbm>>
      tpu.enqueue_indirect_dma source(%dma_start3A_581 : memref<28996x128xf32, #tpu.memory_space<hbm>>) target(%arg7 : memref<64x128xf32, #tpu.memory_space<vmem>>) offsets(%dma_start3A_578 : memref<64xi32, #tpu.memory_space<vmem>>) semaphore(%arg17 : memref<!tpu.dma_semaphore, #tpu.memory_space<semaphore_mem>>)
      %mul3A_582 = arith.constant 10 : i32
      %mul3A_583 = arith.muli %scan3A_486, %mul3A_582 : i32
      %add3A_584 = arith.constant 3 : i32
      %add3A_585 = arith.addi %mul3A_583, %add3A_584 : i32
      %dma_wait3A_586 = arith.constant 0 : i32
      %dma_wait3A_587 = arith.constant 0 : i32
      %dma_wait3A_588 = tpu.memref_slice %arg5[%dma_wait3A_586, %dma_wait3A_587] : memref<100x64xi32, #tpu.memory_space<vmem>> -> memref<1x64xi32, #tpu.memory_space<vmem>>
      %dma_wait3A_589 = tpu.memref_squeeze %dma_wait3A_588 : memref<1x64xi32, #tpu.memory_space<vmem>> -> memref<64xi32, #tpu.memory_space<vmem>>
      %dma_wait3A_590 = arith.constant 0 : i32
      %dma_wait3A_591 = arith.constant 0 : i32
      %dma_wait3A_592 = tpu.memref_slice %arg2[%dma_wait3A_590, %dma_wait3A_591] : memref<28996x128xf32, #tpu.memory_space<hbm>> -> memref<28996x128xf32, #tpu.memory_space<hbm>>
      tpu.wait_indirect_dma semaphore(%arg19 : memref<!tpu.dma_semaphore, #tpu.memory_space<semaphore_mem>>) src(%dma_wait3A_592 : memref<28996x128xf32, #tpu.memory_space<hbm>>) dst(%arg9 : memref<64x128xf32, #tpu.memory_space<vmem>>)
      %mul3A_593 = arith.constant 64 : i32
      %mul3A_594 = arith.muli %add3A_585, %mul3A_593 : i32
      %add3A_595 = arith.addi %mul3A_2, %mul3A_594 : i32
      %dma_start3A_596 = arith.constant 0 : i32
      %dma_start3A_597 = tpu.memref_slice %arg4[%add3A_595, %dma_start3A_596] : memref<204800x128xf32, #tpu.memory_space<hbm>> -> memref<64x128xf32, #tpu.memory_space<hbm>>
      %dma_start3A_598 = arith.constant 0 : i32
      %dma_start3A_599 = tpu.memref_slice %arg4[%add3A_595, %dma_start3A_598] : memref<204800x128xf32, #tpu.memory_space<hbm>> -> memref<64x128xf32, #tpu.memory_space<hbm>>
      tpu.enqueue_dma source(%arg9 : memref<64x128xf32, #tpu.memory_space<vmem>>) target(%dma_start3A_599 : memref<64x128xf32, #tpu.memory_space<hbm>>) target_semaphore(%arg29 : memref<!tpu.dma_semaphore, #tpu.memory_space<semaphore_mem>>)
      %dma_wait3A_600 = arith.constant 0 : i32
      %dma_wait3A_601 = tpu.memref_slice %arg4[%mul3A_2, %dma_wait3A_600] : memref<204800x128xf32, #tpu.memory_space<hbm>> -> memref<64x128xf32, #tpu.memory_space<hbm>>
      %dma_wait3A_602 = arith.constant 0 : i32
      %dma_wait3A_603 = tpu.memref_slice %arg4[%mul3A_2, %dma_wait3A_602] : memref<204800x128xf32, #tpu.memory_space<hbm>> -> memref<64x128xf32, #tpu.memory_space<hbm>>
      tpu.wait_dma2 semaphore(%arg28 : memref<!tpu.dma_semaphore, #tpu.memory_space<semaphore_mem>>) src(%arg8 : memref<64x128xf32, #tpu.memory_space<vmem>>) dst(%dma_wait3A_603 : memref<64x128xf32, #tpu.memory_space<hbm>>)
      %sub3A_604 = arith.constant 1 : i32
      %sub3A_605 = arith.subi %add3A_585, %sub3A_604 : i32
      %add3A_606 = arith.constant 10 : i32
      %add3A_607 = arith.addi %sub3A_605, %add3A_606 : i32
      %dma_start3A_608 = arith.constant 0 : i32
      %dma_start3A_609 = tpu.memref_slice %arg5[%add3A_607, %dma_start3A_608] : memref<100x64xi32, #tpu.memory_space<vmem>> -> memref<1x64xi32, #tpu.memory_space<vmem>>
      %dma_start3A_610 = tpu.memref_squeeze %dma_start3A_609 : memref<1x64xi32, #tpu.memory_space<vmem>> -> memref<64xi32, #tpu.memory_space<vmem>>
      %dma_start3A_611 = arith.constant 0 : i32
      %dma_start3A_612 = arith.constant 0 : i32
      %dma_start3A_613 = tpu.memref_slice %arg2[%dma_start3A_611, %dma_start3A_612] : memref<28996x128xf32, #tpu.memory_space<hbm>> -> memref<28996x128xf32, #tpu.memory_space<hbm>>
      tpu.enqueue_indirect_dma source(%dma_start3A_613 : memref<28996x128xf32, #tpu.memory_space<hbm>>) target(%arg8 : memref<64x128xf32, #tpu.memory_space<vmem>>) offsets(%dma_start3A_610 : memref<64xi32, #tpu.memory_space<vmem>>) semaphore(%arg18 : memref<!tpu.dma_semaphore, #tpu.memory_space<semaphore_mem>>)
      %mul3A_614 = arith.constant 10 : i32
      %mul3A_615 = arith.muli %scan3A_486, %mul3A_614 : i32
      %add3A_616 = arith.constant 4 : i32
      %add3A_617 = arith.addi %mul3A_615, %add3A_616 : i32
      %dma_wait3A_618 = arith.constant 0 : i32
      %dma_wait3A_619 = arith.constant 0 : i32
      %dma_wait3A_620 = tpu.memref_slice %arg5[%dma_wait3A_618, %dma_wait3A_619] : memref<100x64xi32, #tpu.memory_space<vmem>> -> memref<1x64xi32, #tpu.memory_space<vmem>>
      %dma_wait3A_621 = tpu.memref_squeeze %dma_wait3A_620 : memref<1x64xi32, #tpu.memory_space<vmem>> -> memref<64xi32, #tpu.memory_space<vmem>>
      %dma_wait3A_622 = arith.constant 0 : i32
      %dma_wait3A_623 = arith.constant 0 : i32
      %dma_wait3A_624 = tpu.memref_slice %arg2[%dma_wait3A_622, %dma_wait3A_623] : memref<28996x128xf32, #tpu.memory_space<hbm>> -> memref<28996x128xf32, #tpu.memory_space<hbm>>
      tpu.wait_indirect_dma semaphore(%arg20 : memref<!tpu.dma_semaphore, #tpu.memory_space<semaphore_mem>>) src(%dma_wait3A_624 : memref<28996x128xf32, #tpu.memory_space<hbm>>) dst(%arg10 : memref<64x128xf32, #tpu.memory_space<vmem>>)
      %mul3A_625 = arith.constant 64 : i32
      %mul3A_626 = arith.muli %add3A_617, %mul3A_625 : i32
      %add3A_627 = arith.addi %mul3A_2, %mul3A_626 : i32
      %dma_start3A_628 = arith.constant 0 : i32
      %dma_start3A_629 = tpu.memref_slice %arg4[%add3A_627, %dma_start3A_628] : memref<204800x128xf32, #tpu.memory_space<hbm>> -> memref<64x128xf32, #tpu.memory_space<hbm>>
      %dma_start3A_630 = arith.constant 0 : i32
      %dma_start3A_631 = tpu.memref_slice %arg4[%add3A_627, %dma_start3A_630] : memref<204800x128xf32, #tpu.memory_space<hbm>> -> memref<64x128xf32, #tpu.memory_space<hbm>>
      tpu.enqueue_dma source(%arg10 : memref<64x128xf32, #tpu.memory_space<vmem>>) target(%dma_start3A_631 : memref<64x128xf32, #tpu.memory_space<hbm>>) target_semaphore(%arg30 : memref<!tpu.dma_semaphore, #tpu.memory_space<semaphore_mem>>)
      %dma_wait3A_632 = arith.constant 0 : i32
      %dma_wait3A_633 = tpu.memref_slice %arg4[%mul3A_2, %dma_wait3A_632] : memref<204800x128xf32, #tpu.memory_space<hbm>> -> memref<64x128xf32, #tpu.memory_space<hbm>>
      %dma_wait3A_634 = arith.constant 0 : i32
      %dma_wait3A_635 = tpu.memref_slice %arg4[%mul3A_2, %dma_wait3A_634] : memref<204800x128xf32, #tpu.memory_space<hbm>> -> memref<64x128xf32, #tpu.memory_space<hbm>>
      tpu.wait_dma2 semaphore(%arg29 : memref<!tpu.dma_semaphore, #tpu.memory_space<semaphore_mem>>) src(%arg9 : memref<64x128xf32, #tpu.memory_space<vmem>>) dst(%dma_wait3A_635 : memref<64x128xf32, #tpu.memory_space<hbm>>)
      %sub3A_636 = arith.constant 1 : i32
      %sub3A_637 = arith.subi %add3A_617, %sub3A_636 : i32
      %add3A_638 = arith.constant 10 : i32
      %add3A_639 = arith.addi %sub3A_637, %add3A_638 : i32
      %dma_start3A_640 = arith.constant 0 : i32
      %dma_start3A_641 = tpu.memref_slice %arg5[%add3A_639, %dma_start3A_640] : memref<100x64xi32, #tpu.memory_space<vmem>> -> memref<1x64xi32, #tpu.memory_space<vmem>>
      %dma_start3A_642 = tpu.memref_squeeze %dma_start3A_641 : memref<1x64xi32, #tpu.memory_space<vmem>> -> memref<64xi32, #tpu.memory_space<vmem>>
      %dma_start3A_643 = arith.constant 0 : i32
      %dma_start3A_644 = arith.constant 0 : i32
      %dma_start3A_645 = tpu.memref_slice %arg2[%dma_start3A_643, %dma_start3A_644] : memref<28996x128xf32, #tpu.memory_space<hbm>> -> memref<28996x128xf32, #tpu.memory_space<hbm>>
      tpu.enqueue_indirect_dma source(%dma_start3A_645 : memref<28996x128xf32, #tpu.memory_space<hbm>>) target(%arg9 : memref<64x128xf32, #tpu.memory_space<vmem>>) offsets(%dma_start3A_642 : memref<64xi32, #tpu.memory_space<vmem>>) semaphore(%arg19 : memref<!tpu.dma_semaphore, #tpu.memory_space<semaphore_mem>>)
      %mul3A_646 = arith.constant 10 : i32
      %mul3A_647 = arith.muli %scan3A_486, %mul3A_646 : i32
      %add3A_648 = arith.constant 5 : i32
      %add3A_649 = arith.addi %mul3A_647, %add3A_648 : i32
      %dma_wait3A_650 = arith.constant 0 : i32
      %dma_wait3A_651 = arith.constant 0 : i32
      %dma_wait3A_652 = tpu.memref_slice %arg5[%dma_wait3A_650, %dma_wait3A_651] : memref<100x64xi32, #tpu.memory_space<vmem>> -> memref<1x64xi32, #tpu.memory_space<vmem>>
      %dma_wait3A_653 = tpu.memref_squeeze %dma_wait3A_652 : memref<1x64xi32, #tpu.memory_space<vmem>> -> memref<64xi32, #tpu.memory_space<vmem>>
      %dma_wait3A_654 = arith.constant 0 : i32
      %dma_wait3A_655 = arith.constant 0 : i32
      %dma_wait3A_656 = tpu.memref_slice %arg2[%dma_wait3A_654, %dma_wait3A_655] : memref<28996x128xf32, #tpu.memory_space<hbm>> -> memref<28996x128xf32, #tpu.memory_space<hbm>>
      tpu.wait_indirect_dma semaphore(%arg21 : memref<!tpu.dma_semaphore, #tpu.memory_space<semaphore_mem>>) src(%dma_wait3A_656 : memref<28996x128xf32, #tpu.memory_space<hbm>>) dst(%arg11 : memref<64x128xf32, #tpu.memory_space<vmem>>)
      %mul3A_657 = arith.constant 64 : i32
      %mul3A_658 = arith.muli %add3A_649, %mul3A_657 : i32
      %add3A_659 = arith.addi %mul3A_2, %mul3A_658 : i32
      %dma_start3A_660 = arith.constant 0 : i32
      %dma_start3A_661 = tpu.memref_slice %arg4[%add3A_659, %dma_start3A_660] : memref<204800x128xf32, #tpu.memory_space<hbm>> -> memref<64x128xf32, #tpu.memory_space<hbm>>
      %dma_start3A_662 = arith.constant 0 : i32
      %dma_start3A_663 = tpu.memref_slice %arg4[%add3A_659, %dma_start3A_662] : memref<204800x128xf32, #tpu.memory_space<hbm>> -> memref<64x128xf32, #tpu.memory_space<hbm>>
      tpu.enqueue_dma source(%arg11 : memref<64x128xf32, #tpu.memory_space<vmem>>) target(%dma_start3A_663 : memref<64x128xf32, #tpu.memory_space<hbm>>) target_semaphore(%arg31 : memref<!tpu.dma_semaphore, #tpu.memory_space<semaphore_mem>>)
      %dma_wait3A_664 = arith.constant 0 : i32
      %dma_wait3A_665 = tpu.memref_slice %arg4[%mul3A_2, %dma_wait3A_664] : memref<204800x128xf32, #tpu.memory_space<hbm>> -> memref<64x128xf32, #tpu.memory_space<hbm>>
      %dma_wait3A_666 = arith.constant 0 : i32
      %dma_wait3A_667 = tpu.memref_slice %arg4[%mul3A_2, %dma_wait3A_666] : memref<204800x128xf32, #tpu.memory_space<hbm>> -> memref<64x128xf32, #tpu.memory_space<hbm>>
      tpu.wait_dma2 semaphore(%arg30 : memref<!tpu.dma_semaphore, #tpu.memory_space<semaphore_mem>>) src(%arg10 : memref<64x128xf32, #tpu.memory_space<vmem>>) dst(%dma_wait3A_667 : memref<64x128xf32, #tpu.memory_space<hbm>>)
      %sub3A_668 = arith.constant 1 : i32
      %sub3A_669 = arith.subi %add3A_649, %sub3A_668 : i32
      %add3A_670 = arith.constant 10 : i32
      %add3A_671 = arith.addi %sub3A_669, %add3A_670 : i32
      %dma_start3A_672 = arith.constant 0 : i32
      %dma_start3A_673 = tpu.memref_slice %arg5[%add3A_671, %dma_start3A_672] : memref<100x64xi32, #tpu.memory_space<vmem>> -> memref<1x64xi32, #tpu.memory_space<vmem>>
      %dma_start3A_674 = tpu.memref_squeeze %dma_start3A_673 : memref<1x64xi32, #tpu.memory_space<vmem>> -> memref<64xi32, #tpu.memory_space<vmem>>
      %dma_start3A_675 = arith.constant 0 : i32
      %dma_start3A_676 = arith.constant 0 : i32
      %dma_start3A_677 = tpu.memref_slice %arg2[%dma_start3A_675, %dma_start3A_676] : memref<28996x128xf32, #tpu.memory_space<hbm>> -> memref<28996x128xf32, #tpu.memory_space<hbm>>
      tpu.enqueue_indirect_dma source(%dma_start3A_677 : memref<28996x128xf32, #tpu.memory_space<hbm>>) target(%arg10 : memref<64x128xf32, #tpu.memory_space<vmem>>) offsets(%dma_start3A_674 : memref<64xi32, #tpu.memory_space<vmem>>) semaphore(%arg20 : memref<!tpu.dma_semaphore, #tpu.memory_space<semaphore_mem>>)
      %mul3A_678 = arith.constant 10 : i32
      %mul3A_679 = arith.muli %scan3A_486, %mul3A_678 : i32
      %add3A_680 = arith.constant 6 : i32
      %add3A_681 = arith.addi %mul3A_679, %add3A_680 : i32
      %dma_wait3A_682 = arith.constant 0 : i32
      %dma_wait3A_683 = arith.constant 0 : i32
      %dma_wait3A_684 = tpu.memref_slice %arg5[%dma_wait3A_682, %dma_wait3A_683] : memref<100x64xi32, #tpu.memory_space<vmem>> -> memref<1x64xi32, #tpu.memory_space<vmem>>
      %dma_wait3A_685 = tpu.memref_squeeze %dma_wait3A_684 : memref<1x64xi32, #tpu.memory_space<vmem>> -> memref<64xi32, #tpu.memory_space<vmem>>
      %dma_wait3A_686 = arith.constant 0 : i32
      %dma_wait3A_687 = arith.constant 0 : i32
      %dma_wait3A_688 = tpu.memref_slice %arg2[%dma_wait3A_686, %dma_wait3A_687] : memref<28996x128xf32, #tpu.memory_space<hbm>> -> memref<28996x128xf32, #tpu.memory_space<hbm>>
      tpu.wait_indirect_dma semaphore(%arg22 : memref<!tpu.dma_semaphore, #tpu.memory_space<semaphore_mem>>) src(%dma_wait3A_688 : memref<28996x128xf32, #tpu.memory_space<hbm>>) dst(%arg12 : memref<64x128xf32, #tpu.memory_space<vmem>>)
      %mul3A_689 = arith.constant 64 : i32
      %mul3A_690 = arith.muli %add3A_681, %mul3A_689 : i32
      %add3A_691 = arith.addi %mul3A_2, %mul3A_690 : i32
      %dma_start3A_692 = arith.constant 0 : i32
      %dma_start3A_693 = tpu.memref_slice %arg4[%add3A_691, %dma_start3A_692] : memref<204800x128xf32, #tpu.memory_space<hbm>> -> memref<64x128xf32, #tpu.memory_space<hbm>>
      %dma_start3A_694 = arith.constant 0 : i32
      %dma_start3A_695 = tpu.memref_slice %arg4[%add3A_691, %dma_start3A_694] : memref<204800x128xf32, #tpu.memory_space<hbm>> -> memref<64x128xf32, #tpu.memory_space<hbm>>
      tpu.enqueue_dma source(%arg12 : memref<64x128xf32, #tpu.memory_space<vmem>>) target(%dma_start3A_695 : memref<64x128xf32, #tpu.memory_space<hbm>>) target_semaphore(%arg32 : memref<!tpu.dma_semaphore, #tpu.memory_space<semaphore_mem>>)
      %dma_wait3A_696 = arith.constant 0 : i32
      %dma_wait3A_697 = tpu.memref_slice %arg4[%mul3A_2, %dma_wait3A_696] : memref<204800x128xf32, #tpu.memory_space<hbm>> -> memref<64x128xf32, #tpu.memory_space<hbm>>
      %dma_wait3A_698 = arith.constant 0 : i32
      %dma_wait3A_699 = tpu.memref_slice %arg4[%mul3A_2, %dma_wait3A_698] : memref<204800x128xf32, #tpu.memory_space<hbm>> -> memref<64x128xf32, #tpu.memory_space<hbm>>
      tpu.wait_dma2 semaphore(%arg31 : memref<!tpu.dma_semaphore, #tpu.memory_space<semaphore_mem>>) src(%arg11 : memref<64x128xf32, #tpu.memory_space<vmem>>) dst(%dma_wait3A_699 : memref<64x128xf32, #tpu.memory_space<hbm>>)
      %sub3A_700 = arith.constant 1 : i32
      %sub3A_701 = arith.subi %add3A_681, %sub3A_700 : i32
      %add3A_702 = arith.constant 10 : i32
      %add3A_703 = arith.addi %sub3A_701, %add3A_702 : i32
      %dma_start3A_704 = arith.constant 0 : i32
      %dma_start3A_705 = tpu.memref_slice %arg5[%add3A_703, %dma_start3A_704] : memref<100x64xi32, #tpu.memory_space<vmem>> -> memref<1x64xi32, #tpu.memory_space<vmem>>
      %dma_start3A_706 = tpu.memref_squeeze %dma_start3A_705 : memref<1x64xi32, #tpu.memory_space<vmem>> -> memref<64xi32, #tpu.memory_space<vmem>>
      %dma_start3A_707 = arith.constant 0 : i32
      %dma_start3A_708 = arith.constant 0 : i32
      %dma_start3A_709 = tpu.memref_slice %arg2[%dma_start3A_707, %dma_start3A_708] : memref<28996x128xf32, #tpu.memory_space<hbm>> -> memref<28996x128xf32, #tpu.memory_space<hbm>>
      tpu.enqueue_indirect_dma source(%dma_start3A_709 : memref<28996x128xf32, #tpu.memory_space<hbm>>) target(%arg11 : memref<64x128xf32, #tpu.memory_space<vmem>>) offsets(%dma_start3A_706 : memref<64xi32, #tpu.memory_space<vmem>>) semaphore(%arg21 : memref<!tpu.dma_semaphore, #tpu.memory_space<semaphore_mem>>)
      %mul3A_710 = arith.constant 10 : i32
      %mul3A_711 = arith.muli %scan3A_486, %mul3A_710 : i32
      %add3A_712 = arith.constant 7 : i32
      %add3A_713 = arith.addi %mul3A_711, %add3A_712 : i32
      %dma_wait3A_714 = arith.constant 0 : i32
      %dma_wait3A_715 = arith.constant 0 : i32
      %dma_wait3A_716 = tpu.memref_slice %arg5[%dma_wait3A_714, %dma_wait3A_715] : memref<100x64xi32, #tpu.memory_space<vmem>> -> memref<1x64xi32, #tpu.memory_space<vmem>>
      %dma_wait3A_717 = tpu.memref_squeeze %dma_wait3A_716 : memref<1x64xi32, #tpu.memory_space<vmem>> -> memref<64xi32, #tpu.memory_space<vmem>>
      %dma_wait3A_718 = arith.constant 0 : i32
      %dma_wait3A_719 = arith.constant 0 : i32
      %dma_wait3A_720 = tpu.memref_slice %arg2[%dma_wait3A_718, %dma_wait3A_719] : memref<28996x128xf32, #tpu.memory_space<hbm>> -> memref<28996x128xf32, #tpu.memory_space<hbm>>
      tpu.wait_indirect_dma semaphore(%arg23 : memref<!tpu.dma_semaphore, #tpu.memory_space<semaphore_mem>>) src(%dma_wait3A_720 : memref<28996x128xf32, #tpu.memory_space<hbm>>) dst(%arg13 : memref<64x128xf32, #tpu.memory_space<vmem>>)
      %mul3A_721 = arith.constant 64 : i32
      %mul3A_722 = arith.muli %add3A_713, %mul3A_721 : i32
      %add3A_723 = arith.addi %mul3A_2, %mul3A_722 : i32
      %dma_start3A_724 = arith.constant 0 : i32
      %dma_start3A_725 = tpu.memref_slice %arg4[%add3A_723, %dma_start3A_724] : memref<204800x128xf32, #tpu.memory_space<hbm>> -> memref<64x128xf32, #tpu.memory_space<hbm>>
      %dma_start3A_726 = arith.constant 0 : i32
      %dma_start3A_727 = tpu.memref_slice %arg4[%add3A_723, %dma_start3A_726] : memref<204800x128xf32, #tpu.memory_space<hbm>> -> memref<64x128xf32, #tpu.memory_space<hbm>>
      tpu.enqueue_dma source(%arg13 : memref<64x128xf32, #tpu.memory_space<vmem>>) target(%dma_start3A_727 : memref<64x128xf32, #tpu.memory_space<hbm>>) target_semaphore(%arg33 : memref<!tpu.dma_semaphore, #tpu.memory_space<semaphore_mem>>)
      %dma_wait3A_728 = arith.constant 0 : i32
      %dma_wait3A_729 = tpu.memref_slice %arg4[%mul3A_2, %dma_wait3A_728] : memref<204800x128xf32, #tpu.memory_space<hbm>> -> memref<64x128xf32, #tpu.memory_space<hbm>>
      %dma_wait3A_730 = arith.constant 0 : i32
      %dma_wait3A_731 = tpu.memref_slice %arg4[%mul3A_2, %dma_wait3A_730] : memref<204800x128xf32, #tpu.memory_space<hbm>> -> memref<64x128xf32, #tpu.memory_space<hbm>>
      tpu.wait_dma2 semaphore(%arg32 : memref<!tpu.dma_semaphore, #tpu.memory_space<semaphore_mem>>) src(%arg12 : memref<64x128xf32, #tpu.memory_space<vmem>>) dst(%dma_wait3A_731 : memref<64x128xf32, #tpu.memory_space<hbm>>)
      %sub3A_732 = arith.constant 1 : i32
      %sub3A_733 = arith.subi %add3A_713, %sub3A_732 : i32
      %add3A_734 = arith.constant 10 : i32
      %add3A_735 = arith.addi %sub3A_733, %add3A_734 : i32
      %dma_start3A_736 = arith.constant 0 : i32
      %dma_start3A_737 = tpu.memref_slice %arg5[%add3A_735, %dma_start3A_736] : memref<100x64xi32, #tpu.memory_space<vmem>> -> memref<1x64xi32, #tpu.memory_space<vmem>>
      %dma_start3A_738 = tpu.memref_squeeze %dma_start3A_737 : memref<1x64xi32, #tpu.memory_space<vmem>> -> memref<64xi32, #tpu.memory_space<vmem>>
      %dma_start3A_739 = arith.constant 0 : i32
      %dma_start3A_740 = arith.constant 0 : i32
      %dma_start3A_741 = tpu.memref_slice %arg2[%dma_start3A_739, %dma_start3A_740] : memref<28996x128xf32, #tpu.memory_space<hbm>> -> memref<28996x128xf32, #tpu.memory_space<hbm>>
      tpu.enqueue_indirect_dma source(%dma_start3A_741 : memref<28996x128xf32, #tpu.memory_space<hbm>>) target(%arg12 : memref<64x128xf32, #tpu.memory_space<vmem>>) offsets(%dma_start3A_738 : memref<64xi32, #tpu.memory_space<vmem>>) semaphore(%arg22 : memref<!tpu.dma_semaphore, #tpu.memory_space<semaphore_mem>>)
      %mul3A_742 = arith.constant 10 : i32
      %mul3A_743 = arith.muli %scan3A_486, %mul3A_742 : i32
      %add3A_744 = arith.constant 8 : i32
      %add3A_745 = arith.addi %mul3A_743, %add3A_744 : i32
      %dma_wait3A_746 = arith.constant 0 : i32
      %dma_wait3A_747 = arith.constant 0 : i32
      %dma_wait3A_748 = tpu.memref_slice %arg5[%dma_wait3A_746, %dma_wait3A_747] : memref<100x64xi32, #tpu.memory_space<vmem>> -> memref<1x64xi32, #tpu.memory_space<vmem>>
      %dma_wait3A_749 = tpu.memref_squeeze %dma_wait3A_748 : memref<1x64xi32, #tpu.memory_space<vmem>> -> memref<64xi32, #tpu.memory_space<vmem>>
      %dma_wait3A_750 = arith.constant 0 : i32
      %dma_wait3A_751 = arith.constant 0 : i32
      %dma_wait3A_752 = tpu.memref_slice %arg2[%dma_wait3A_750, %dma_wait3A_751] : memref<28996x128xf32, #tpu.memory_space<hbm>> -> memref<28996x128xf32, #tpu.memory_space<hbm>>
      tpu.wait_indirect_dma semaphore(%arg24 : memref<!tpu.dma_semaphore, #tpu.memory_space<semaphore_mem>>) src(%dma_wait3A_752 : memref<28996x128xf32, #tpu.memory_space<hbm>>) dst(%arg14 : memref<64x128xf32, #tpu.memory_space<vmem>>)
      %mul3A_753 = arith.constant 64 : i32
      %mul3A_754 = arith.muli %add3A_745, %mul3A_753 : i32
      %add3A_755 = arith.addi %mul3A_2, %mul3A_754 : i32
      %dma_start3A_756 = arith.constant 0 : i32
      %dma_start3A_757 = tpu.memref_slice %arg4[%add3A_755, %dma_start3A_756] : memref<204800x128xf32, #tpu.memory_space<hbm>> -> memref<64x128xf32, #tpu.memory_space<hbm>>
      %dma_start3A_758 = arith.constant 0 : i32
      %dma_start3A_759 = tpu.memref_slice %arg4[%add3A_755, %dma_start3A_758] : memref<204800x128xf32, #tpu.memory_space<hbm>> -> memref<64x128xf32, #tpu.memory_space<hbm>>
      tpu.enqueue_dma source(%arg14 : memref<64x128xf32, #tpu.memory_space<vmem>>) target(%dma_start3A_759 : memref<64x128xf32, #tpu.memory_space<hbm>>) target_semaphore(%arg34 : memref<!tpu.dma_semaphore, #tpu.memory_space<semaphore_mem>>)
      %dma_wait3A_760 = arith.constant 0 : i32
      %dma_wait3A_761 = tpu.memref_slice %arg4[%mul3A_2, %dma_wait3A_760] : memref<204800x128xf32, #tpu.memory_space<hbm>> -> memref<64x128xf32, #tpu.memory_space<hbm>>
      %dma_wait3A_762 = arith.constant 0 : i32
      %dma_wait3A_763 = tpu.memref_slice %arg4[%mul3A_2, %dma_wait3A_762] : memref<204800x128xf32, #tpu.memory_space<hbm>> -> memref<64x128xf32, #tpu.memory_space<hbm>>
      tpu.wait_dma2 semaphore(%arg33 : memref<!tpu.dma_semaphore, #tpu.memory_space<semaphore_mem>>) src(%arg13 : memref<64x128xf32, #tpu.memory_space<vmem>>) dst(%dma_wait3A_763 : memref<64x128xf32, #tpu.memory_space<hbm>>)
      %sub3A_764 = arith.constant 1 : i32
      %sub3A_765 = arith.subi %add3A_745, %sub3A_764 : i32
      %add3A_766 = arith.constant 10 : i32
      %add3A_767 = arith.addi %sub3A_765, %add3A_766 : i32
      %dma_start3A_768 = arith.constant 0 : i32
      %dma_start3A_769 = tpu.memref_slice %arg5[%add3A_767, %dma_start3A_768] : memref<100x64xi32, #tpu.memory_space<vmem>> -> memref<1x64xi32, #tpu.memory_space<vmem>>
      %dma_start3A_770 = tpu.memref_squeeze %dma_start3A_769 : memref<1x64xi32, #tpu.memory_space<vmem>> -> memref<64xi32, #tpu.memory_space<vmem>>
      %dma_start3A_771 = arith.constant 0 : i32
      %dma_start3A_772 = arith.constant 0 : i32
      %dma_start3A_773 = tpu.memref_slice %arg2[%dma_start3A_771, %dma_start3A_772] : memref<28996x128xf32, #tpu.memory_space<hbm>> -> memref<28996x128xf32, #tpu.memory_space<hbm>>
      tpu.enqueue_indirect_dma source(%dma_start3A_773 : memref<28996x128xf32, #tpu.memory_space<hbm>>) target(%arg13 : memref<64x128xf32, #tpu.memory_space<vmem>>) offsets(%dma_start3A_770 : memref<64xi32, #tpu.memory_space<vmem>>) semaphore(%arg23 : memref<!tpu.dma_semaphore, #tpu.memory_space<semaphore_mem>>)
      %mul3A_774 = arith.constant 10 : i32
      %mul3A_775 = arith.muli %scan3A_486, %mul3A_774 : i32
      %add3A_776 = arith.constant 9 : i32
      %add3A_777 = arith.addi %mul3A_775, %add3A_776 : i32
      %dma_wait3A_778 = arith.constant 0 : i32
      %dma_wait3A_779 = arith.constant 0 : i32
      %dma_wait3A_780 = tpu.memref_slice %arg5[%dma_wait3A_778, %dma_wait3A_779] : memref<100x64xi32, #tpu.memory_space<vmem>> -> memref<1x64xi32, #tpu.memory_space<vmem>>
      %dma_wait3A_781 = tpu.memref_squeeze %dma_wait3A_780 : memref<1x64xi32, #tpu.memory_space<vmem>> -> memref<64xi32, #tpu.memory_space<vmem>>
      %dma_wait3A_782 = arith.constant 0 : i32
      %dma_wait3A_783 = arith.constant 0 : i32
      %dma_wait3A_784 = tpu.memref_slice %arg2[%dma_wait3A_782, %dma_wait3A_783] : memref<28996x128xf32, #tpu.memory_space<hbm>> -> memref<28996x128xf32, #tpu.memory_space<hbm>>
      tpu.wait_indirect_dma semaphore(%arg25 : memref<!tpu.dma_semaphore, #tpu.memory_space<semaphore_mem>>) src(%dma_wait3A_784 : memref<28996x128xf32, #tpu.memory_space<hbm>>) dst(%arg15 : memref<64x128xf32, #tpu.memory_space<vmem>>)
      %mul3A_785 = arith.constant 64 : i32
      %mul3A_786 = arith.muli %add3A_777, %mul3A_785 : i32
      %add3A_787 = arith.addi %mul3A_2, %mul3A_786 : i32
      %dma_start3A_788 = arith.constant 0 : i32
      %dma_start3A_789 = tpu.memref_slice %arg4[%add3A_787, %dma_start3A_788] : memref<204800x128xf32, #tpu.memory_space<hbm>> -> memref<64x128xf32, #tpu.memory_space<hbm>>
      %dma_start3A_790 = arith.constant 0 : i32
      %dma_start3A_791 = tpu.memref_slice %arg4[%add3A_787, %dma_start3A_790] : memref<204800x128xf32, #tpu.memory_space<hbm>> -> memref<64x128xf32, #tpu.memory_space<hbm>>
      tpu.enqueue_dma source(%arg15 : memref<64x128xf32, #tpu.memory_space<vmem>>) target(%dma_start3A_791 : memref<64x128xf32, #tpu.memory_space<hbm>>) target_semaphore(%arg35 : memref<!tpu.dma_semaphore, #tpu.memory_space<semaphore_mem>>)
      %dma_wait3A_792 = arith.constant 0 : i32
      %dma_wait3A_793 = tpu.memref_slice %arg4[%mul3A_2, %dma_wait3A_792] : memref<204800x128xf32, #tpu.memory_space<hbm>> -> memref<64x128xf32, #tpu.memory_space<hbm>>
      %dma_wait3A_794 = arith.constant 0 : i32
      %dma_wait3A_795 = tpu.memref_slice %arg4[%mul3A_2, %dma_wait3A_794] : memref<204800x128xf32, #tpu.memory_space<hbm>> -> memref<64x128xf32, #tpu.memory_space<hbm>>
      tpu.wait_dma2 semaphore(%arg34 : memref<!tpu.dma_semaphore, #tpu.memory_space<semaphore_mem>>) src(%arg14 : memref<64x128xf32, #tpu.memory_space<vmem>>) dst(%dma_wait3A_795 : memref<64x128xf32, #tpu.memory_space<hbm>>)
      %sub3A_796 = arith.constant 1 : i32
      %sub3A_797 = arith.subi %add3A_777, %sub3A_796 : i32
      %add3A_798 = arith.constant 10 : i32
      %add3A_799 = arith.addi %sub3A_797, %add3A_798 : i32
      %dma_start3A_800 = arith.constant 0 : i32
      %dma_start3A_801 = tpu.memref_slice %arg5[%add3A_799, %dma_start3A_800] : memref<100x64xi32, #tpu.memory_space<vmem>> -> memref<1x64xi32, #tpu.memory_space<vmem>>
      %dma_start3A_802 = tpu.memref_squeeze %dma_start3A_801 : memref<1x64xi32, #tpu.memory_space<vmem>> -> memref<64xi32, #tpu.memory_space<vmem>>
      %dma_start3A_803 = arith.constant 0 : i32
      %dma_start3A_804 = arith.constant 0 : i32
      %dma_start3A_805 = tpu.memref_slice %arg2[%dma_start3A_803, %dma_start3A_804] : memref<28996x128xf32, #tpu.memory_space<hbm>> -> memref<28996x128xf32, #tpu.memory_space<hbm>>
      tpu.enqueue_indirect_dma source(%dma_start3A_805 : memref<28996x128xf32, #tpu.memory_space<hbm>>) target(%arg14 : memref<64x128xf32, #tpu.memory_space<vmem>>) offsets(%dma_start3A_802 : memref<64xi32, #tpu.memory_space<vmem>>) semaphore(%arg24 : memref<!tpu.dma_semaphore, #tpu.memory_space<semaphore_mem>>)
    }
    %scan3A_304 = arith.constant 8 : i32
    %dma_wait3A_305 = arith.constant 0 : i32
    %dma_wait3A_306 = arith.constant 0 : i32
    %dma_wait3A_307 = tpu.memref_slice %arg5[%dma_wait3A_305, %dma_wait3A_306] : memref<100x64xi32, #tpu.memory_space<vmem>> -> memref<1x64xi32, #tpu.memory_space<vmem>>
    %dma_wait3A_308 = tpu.memref_squeeze %dma_wait3A_307 : memref<1x64xi32, #tpu.memory_space<vmem>> -> memref<64xi32, #tpu.memory_space<vmem>>
    %dma_wait3A_309 = arith.constant 0 : i32
    %dma_wait3A_310 = arith.constant 0 : i32
    %dma_wait3A_311 = tpu.memref_slice %arg2[%dma_wait3A_309, %dma_wait3A_310] : memref<28996x128xf32, #tpu.memory_space<hbm>> -> memref<28996x128xf32, #tpu.memory_space<hbm>>
    tpu.wait_indirect_dma semaphore(%arg16 : memref<!tpu.dma_semaphore, #tpu.memory_space<semaphore_mem>>) src(%dma_wait3A_311 : memref<28996x128xf32, #tpu.memory_space<hbm>>) dst(%arg6 : memref<64x128xf32, #tpu.memory_space<vmem>>)
    %add3A_312 = arith.constant 5760 : i32
    %add3A_313 = arith.addi %mul3A_2, %add3A_312 : i32
    %dma_start3A_314 = arith.constant 0 : i32
    %dma_start3A_315 = tpu.memref_slice %arg4[%add3A_313, %dma_start3A_314] : memref<204800x128xf32, #tpu.memory_space<hbm>> -> memref<64x128xf32, #tpu.memory_space<hbm>>
    %dma_start3A_316 = arith.constant 0 : i32
    %dma_start3A_317 = tpu.memref_slice %arg4[%add3A_313, %dma_start3A_316] : memref<204800x128xf32, #tpu.memory_space<hbm>> -> memref<64x128xf32, #tpu.memory_space<hbm>>
    tpu.enqueue_dma source(%arg6 : memref<64x128xf32, #tpu.memory_space<vmem>>) target(%dma_start3A_317 : memref<64x128xf32, #tpu.memory_space<hbm>>) target_semaphore(%arg26 : memref<!tpu.dma_semaphore, #tpu.memory_space<semaphore_mem>>)
    %dma_wait3A_318 = arith.constant 0 : i32
    %dma_wait3A_319 = tpu.memref_slice %arg4[%mul3A_2, %dma_wait3A_318] : memref<204800x128xf32, #tpu.memory_space<hbm>> -> memref<64x128xf32, #tpu.memory_space<hbm>>
    %dma_wait3A_320 = arith.constant 0 : i32
    %dma_wait3A_321 = tpu.memref_slice %arg4[%mul3A_2, %dma_wait3A_320] : memref<204800x128xf32, #tpu.memory_space<hbm>> -> memref<64x128xf32, #tpu.memory_space<hbm>>
    tpu.wait_dma2 semaphore(%arg35 : memref<!tpu.dma_semaphore, #tpu.memory_space<semaphore_mem>>) src(%arg15 : memref<64x128xf32, #tpu.memory_space<vmem>>) dst(%dma_wait3A_321 : memref<64x128xf32, #tpu.memory_space<hbm>>)
    %dma_start3A_322 = arith.constant 99 : i32
    %dma_start3A_323 = arith.constant 0 : i32
    %dma_start3A_324 = tpu.memref_slice %arg5[%dma_start3A_322, %dma_start3A_323] : memref<100x64xi32, #tpu.memory_space<vmem>> -> memref<1x64xi32, #tpu.memory_space<vmem>>
    %dma_start3A_325 = tpu.memref_squeeze %dma_start3A_324 : memref<1x64xi32, #tpu.memory_space<vmem>> -> memref<64xi32, #tpu.memory_space<vmem>>
    %dma_start3A_326 = arith.constant 0 : i32
    %dma_start3A_327 = arith.constant 0 : i32
    %dma_start3A_328 = tpu.memref_slice %arg2[%dma_start3A_326, %dma_start3A_327] : memref<28996x128xf32, #tpu.memory_space<hbm>> -> memref<28996x128xf32, #tpu.memory_space<hbm>>
    tpu.enqueue_indirect_dma source(%dma_start3A_328 : memref<28996x128xf32, #tpu.memory_space<hbm>>) target(%arg15 : memref<64x128xf32, #tpu.memory_space<vmem>>) offsets(%dma_start3A_325 : memref<64xi32, #tpu.memory_space<vmem>>) semaphore(%arg25 : memref<!tpu.dma_semaphore, #tpu.memory_space<semaphore_mem>>)
    %dma_wait3A_329 = arith.constant 0 : i32
    %dma_wait3A_330 = arith.constant 0 : i32
    %dma_wait3A_331 = tpu.memref_slice %arg5[%dma_wait3A_329, %dma_wait3A_330] : memref<100x64xi32, #tpu.memory_space<vmem>> -> memref<1x64xi32, #tpu.memory_space<vmem>>
    %dma_wait3A_332 = tpu.memref_squeeze %dma_wait3A_331 : memref<1x64xi32, #tpu.memory_space<vmem>> -> memref<64xi32, #tpu.memory_space<vmem>>
    %dma_wait3A_333 = arith.constant 0 : i32
    %dma_wait3A_334 = arith.constant 0 : i32
    %dma_wait3A_335 = tpu.memref_slice %arg2[%dma_wait3A_333, %dma_wait3A_334] : memref<28996x128xf32, #tpu.memory_space<hbm>> -> memref<28996x128xf32, #tpu.memory_space<hbm>>
    tpu.wait_indirect_dma semaphore(%arg17 : memref<!tpu.dma_semaphore, #tpu.memory_space<semaphore_mem>>) src(%dma_wait3A_335 : memref<28996x128xf32, #tpu.memory_space<hbm>>) dst(%arg7 : memref<64x128xf32, #tpu.memory_space<vmem>>)
    %add3A_336 = arith.constant 5824 : i32
    %add3A_337 = arith.addi %mul3A_2, %add3A_336 : i32
    %dma_start3A_338 = arith.constant 0 : i32
    %dma_start3A_339 = tpu.memref_slice %arg4[%add3A_337, %dma_start3A_338] : memref<204800x128xf32, #tpu.memory_space<hbm>> -> memref<64x128xf32, #tpu.memory_space<hbm>>
    %dma_start3A_340 = arith.constant 0 : i32
    %dma_start3A_341 = tpu.memref_slice %arg4[%add3A_337, %dma_start3A_340] : memref<204800x128xf32, #tpu.memory_space<hbm>> -> memref<64x128xf32, #tpu.memory_space<hbm>>
    tpu.enqueue_dma source(%arg7 : memref<64x128xf32, #tpu.memory_space<vmem>>) target(%dma_start3A_341 : memref<64x128xf32, #tpu.memory_space<hbm>>) target_semaphore(%arg27 : memref<!tpu.dma_semaphore, #tpu.memory_space<semaphore_mem>>)
    %dma_wait3A_342 = arith.constant 0 : i32
    %dma_wait3A_343 = arith.constant 0 : i32
    %dma_wait3A_344 = tpu.memref_slice %arg5[%dma_wait3A_342, %dma_wait3A_343] : memref<100x64xi32, #tpu.memory_space<vmem>> -> memref<1x64xi32, #tpu.memory_space<vmem>>
    %dma_wait3A_345 = tpu.memref_squeeze %dma_wait3A_344 : memref<1x64xi32, #tpu.memory_space<vmem>> -> memref<64xi32, #tpu.memory_space<vmem>>
    %dma_wait3A_346 = arith.constant 0 : i32
    %dma_wait3A_347 = arith.constant 0 : i32
    %dma_wait3A_348 = tpu.memref_slice %arg2[%dma_wait3A_346, %dma_wait3A_347] : memref<28996x128xf32, #tpu.memory_space<hbm>> -> memref<28996x128xf32, #tpu.memory_space<hbm>>
    tpu.wait_indirect_dma semaphore(%arg18 : memref<!tpu.dma_semaphore, #tpu.memory_space<semaphore_mem>>) src(%dma_wait3A_348 : memref<28996x128xf32, #tpu.memory_space<hbm>>) dst(%arg8 : memref<64x128xf32, #tpu.memory_space<vmem>>)
    %add3A_349 = arith.constant 5888 : i32
    %add3A_350 = arith.addi %mul3A_2, %add3A_349 : i32
    %dma_start3A_351 = arith.constant 0 : i32
    %dma_start3A_352 = tpu.memref_slice %arg4[%add3A_350, %dma_start3A_351] : memref<204800x128xf32, #tpu.memory_space<hbm>> -> memref<64x128xf32, #tpu.memory_space<hbm>>
    %dma_start3A_353 = arith.constant 0 : i32
    %dma_start3A_354 = tpu.memref_slice %arg4[%add3A_350, %dma_start3A_353] : memref<204800x128xf32, #tpu.memory_space<hbm>> -> memref<64x128xf32, #tpu.memory_space<hbm>>
    tpu.enqueue_dma source(%arg8 : memref<64x128xf32, #tpu.memory_space<vmem>>) target(%dma_start3A_354 : memref<64x128xf32, #tpu.memory_space<hbm>>) target_semaphore(%arg28 : memref<!tpu.dma_semaphore, #tpu.memory_space<semaphore_mem>>)
    %dma_wait3A_355 = arith.constant 0 : i32
    %dma_wait3A_356 = arith.constant 0 : i32
    %dma_wait3A_357 = tpu.memref_slice %arg5[%dma_wait3A_355, %dma_wait3A_356] : memref<100x64xi32, #tpu.memory_space<vmem>> -> memref<1x64xi32, #tpu.memory_space<vmem>>
    %dma_wait3A_358 = tpu.memref_squeeze %dma_wait3A_357 : memref<1x64xi32, #tpu.memory_space<vmem>> -> memref<64xi32, #tpu.memory_space<vmem>>
    %dma_wait3A_359 = arith.constant 0 : i32
    %dma_wait3A_360 = arith.constant 0 : i32
    %dma_wait3A_361 = tpu.memref_slice %arg2[%dma_wait3A_359, %dma_wait3A_360] : memref<28996x128xf32, #tpu.memory_space<hbm>> -> memref<28996x128xf32, #tpu.memory_space<hbm>>
    tpu.wait_indirect_dma semaphore(%arg19 : memref<!tpu.dma_semaphore, #tpu.memory_space<semaphore_mem>>) src(%dma_wait3A_361 : memref<28996x128xf32, #tpu.memory_space<hbm>>) dst(%arg9 : memref<64x128xf32, #tpu.memory_space<vmem>>)
    %add3A_362 = arith.constant 5952 : i32
    %add3A_363 = arith.addi %mul3A_2, %add3A_362 : i32
    %dma_start3A_364 = arith.constant 0 : i32
    %dma_start3A_365 = tpu.memref_slice %arg4[%add3A_363, %dma_start3A_364] : memref<204800x128xf32, #tpu.memory_space<hbm>> -> memref<64x128xf32, #tpu.memory_space<hbm>>
    %dma_start3A_366 = arith.constant 0 : i32
    %dma_start3A_367 = tpu.memref_slice %arg4[%add3A_363, %dma_start3A_366] : memref<204800x128xf32, #tpu.memory_space<hbm>> -> memref<64x128xf32, #tpu.memory_space<hbm>>
    tpu.enqueue_dma source(%arg9 : memref<64x128xf32, #tpu.memory_space<vmem>>) target(%dma_start3A_367 : memref<64x128xf32, #tpu.memory_space<hbm>>) target_semaphore(%arg29 : memref<!tpu.dma_semaphore, #tpu.memory_space<semaphore_mem>>)
    %dma_wait3A_368 = arith.constant 0 : i32
    %dma_wait3A_369 = arith.constant 0 : i32
    %dma_wait3A_370 = tpu.memref_slice %arg5[%dma_wait3A_368, %dma_wait3A_369] : memref<100x64xi32, #tpu.memory_space<vmem>> -> memref<1x64xi32, #tpu.memory_space<vmem>>
    %dma_wait3A_371 = tpu.memref_squeeze %dma_wait3A_370 : memref<1x64xi32, #tpu.memory_space<vmem>> -> memref<64xi32, #tpu.memory_space<vmem>>
    %dma_wait3A_372 = arith.constant 0 : i32
    %dma_wait3A_373 = arith.constant 0 : i32
    %dma_wait3A_374 = tpu.memref_slice %arg2[%dma_wait3A_372, %dma_wait3A_373] : memref<28996x128xf32, #tpu.memory_space<hbm>> -> memref<28996x128xf32, #tpu.memory_space<hbm>>
    tpu.wait_indirect_dma semaphore(%arg20 : memref<!tpu.dma_semaphore, #tpu.memory_space<semaphore_mem>>) src(%dma_wait3A_374 : memref<28996x128xf32, #tpu.memory_space<hbm>>) dst(%arg10 : memref<64x128xf32, #tpu.memory_space<vmem>>)
    %add3A_375 = arith.constant 6016 : i32
    %add3A_376 = arith.addi %mul3A_2, %add3A_375 : i32
    %dma_start3A_377 = arith.constant 0 : i32
    %dma_start3A_378 = tpu.memref_slice %arg4[%add3A_376, %dma_start3A_377] : memref<204800x128xf32, #tpu.memory_space<hbm>> -> memref<64x128xf32, #tpu.memory_space<hbm>>
    %dma_start3A_379 = arith.constant 0 : i32
    %dma_start3A_380 = tpu.memref_slice %arg4[%add3A_376, %dma_start3A_379] : memref<204800x128xf32, #tpu.memory_space<hbm>> -> memref<64x128xf32, #tpu.memory_space<hbm>>
    tpu.enqueue_dma source(%arg10 : memref<64x128xf32, #tpu.memory_space<vmem>>) target(%dma_start3A_380 : memref<64x128xf32, #tpu.memory_space<hbm>>) target_semaphore(%arg30 : memref<!tpu.dma_semaphore, #tpu.memory_space<semaphore_mem>>)
    %dma_wait3A_381 = arith.constant 0 : i32
    %dma_wait3A_382 = arith.constant 0 : i32
    %dma_wait3A_383 = tpu.memref_slice %arg5[%dma_wait3A_381, %dma_wait3A_382] : memref<100x64xi32, #tpu.memory_space<vmem>> -> memref<1x64xi32, #tpu.memory_space<vmem>>
    %dma_wait3A_384 = tpu.memref_squeeze %dma_wait3A_383 : memref<1x64xi32, #tpu.memory_space<vmem>> -> memref<64xi32, #tpu.memory_space<vmem>>
    %dma_wait3A_385 = arith.constant 0 : i32
    %dma_wait3A_386 = arith.constant 0 : i32
    %dma_wait3A_387 = tpu.memref_slice %arg2[%dma_wait3A_385, %dma_wait3A_386] : memref<28996x128xf32, #tpu.memory_space<hbm>> -> memref<28996x128xf32, #tpu.memory_space<hbm>>
    tpu.wait_indirect_dma semaphore(%arg21 : memref<!tpu.dma_semaphore, #tpu.memory_space<semaphore_mem>>) src(%dma_wait3A_387 : memref<28996x128xf32, #tpu.memory_space<hbm>>) dst(%arg11 : memref<64x128xf32, #tpu.memory_space<vmem>>)
    %add3A_388 = arith.constant 6080 : i32
    %add3A_389 = arith.addi %mul3A_2, %add3A_388 : i32
    %dma_start3A_390 = arith.constant 0 : i32
    %dma_start3A_391 = tpu.memref_slice %arg4[%add3A_389, %dma_start3A_390] : memref<204800x128xf32, #tpu.memory_space<hbm>> -> memref<64x128xf32, #tpu.memory_space<hbm>>
    %dma_start3A_392 = arith.constant 0 : i32
    %dma_start3A_393 = tpu.memref_slice %arg4[%add3A_389, %dma_start3A_392] : memref<204800x128xf32, #tpu.memory_space<hbm>> -> memref<64x128xf32, #tpu.memory_space<hbm>>
    tpu.enqueue_dma source(%arg11 : memref<64x128xf32, #tpu.memory_space<vmem>>) target(%dma_start3A_393 : memref<64x128xf32, #tpu.memory_space<hbm>>) target_semaphore(%arg31 : memref<!tpu.dma_semaphore, #tpu.memory_space<semaphore_mem>>)
    %dma_wait3A_394 = arith.constant 0 : i32
    %dma_wait3A_395 = arith.constant 0 : i32
    %dma_wait3A_396 = tpu.memref_slice %arg5[%dma_wait3A_394, %dma_wait3A_395] : memref<100x64xi32, #tpu.memory_space<vmem>> -> memref<1x64xi32, #tpu.memory_space<vmem>>
    %dma_wait3A_397 = tpu.memref_squeeze %dma_wait3A_396 : memref<1x64xi32, #tpu.memory_space<vmem>> -> memref<64xi32, #tpu.memory_space<vmem>>
    %dma_wait3A_398 = arith.constant 0 : i32
    %dma_wait3A_399 = arith.constant 0 : i32
    %dma_wait3A_400 = tpu.memref_slice %arg2[%dma_wait3A_398, %dma_wait3A_399] : memref<28996x128xf32, #tpu.memory_space<hbm>> -> memref<28996x128xf32, #tpu.memory_space<hbm>>
    tpu.wait_indirect_dma semaphore(%arg22 : memref<!tpu.dma_semaphore, #tpu.memory_space<semaphore_mem>>) src(%dma_wait3A_400 : memref<28996x128xf32, #tpu.memory_space<hbm>>) dst(%arg12 : memref<64x128xf32, #tpu.memory_space<vmem>>)
    %add3A_401 = arith.constant 6144 : i32
    %add3A_402 = arith.addi %mul3A_2, %add3A_401 : i32
    %dma_start3A_403 = arith.constant 0 : i32
    %dma_start3A_404 = tpu.memref_slice %arg4[%add3A_402, %dma_start3A_403] : memref<204800x128xf32, #tpu.memory_space<hbm>> -> memref<64x128xf32, #tpu.memory_space<hbm>>
    %dma_start3A_405 = arith.constant 0 : i32
    %dma_start3A_406 = tpu.memref_slice %arg4[%add3A_402, %dma_start3A_405] : memref<204800x128xf32, #tpu.memory_space<hbm>> -> memref<64x128xf32, #tpu.memory_space<hbm>>
    tpu.enqueue_dma source(%arg12 : memref<64x128xf32, #tpu.memory_space<vmem>>) target(%dma_start3A_406 : memref<64x128xf32, #tpu.memory_space<hbm>>) target_semaphore(%arg32 : memref<!tpu.dma_semaphore, #tpu.memory_space<semaphore_mem>>)
    %dma_wait3A_407 = arith.constant 0 : i32
    %dma_wait3A_408 = arith.constant 0 : i32
    %dma_wait3A_409 = tpu.memref_slice %arg5[%dma_wait3A_407, %dma_wait3A_408] : memref<100x64xi32, #tpu.memory_space<vmem>> -> memref<1x64xi32, #tpu.memory_space<vmem>>
    %dma_wait3A_410 = tpu.memref_squeeze %dma_wait3A_409 : memref<1x64xi32, #tpu.memory_space<vmem>> -> memref<64xi32, #tpu.memory_space<vmem>>
    %dma_wait3A_411 = arith.constant 0 : i32
    %dma_wait3A_412 = arith.constant 0 : i32
    %dma_wait3A_413 = tpu.memref_slice %arg2[%dma_wait3A_411, %dma_wait3A_412] : memref<28996x128xf32, #tpu.memory_space<hbm>> -> memref<28996x128xf32, #tpu.memory_space<hbm>>
    tpu.wait_indirect_dma semaphore(%arg23 : memref<!tpu.dma_semaphore, #tpu.memory_space<semaphore_mem>>) src(%dma_wait3A_413 : memref<28996x128xf32, #tpu.memory_space<hbm>>) dst(%arg13 : memref<64x128xf32, #tpu.memory_space<vmem>>)
    %add3A_414 = arith.constant 6208 : i32
    %add3A_415 = arith.addi %mul3A_2, %add3A_414 : i32
    %dma_start3A_416 = arith.constant 0 : i32
    %dma_start3A_417 = tpu.memref_slice %arg4[%add3A_415, %dma_start3A_416] : memref<204800x128xf32, #tpu.memory_space<hbm>> -> memref<64x128xf32, #tpu.memory_space<hbm>>
    %dma_start3A_418 = arith.constant 0 : i32
    %dma_start3A_419 = tpu.memref_slice %arg4[%add3A_415, %dma_start3A_418] : memref<204800x128xf32, #tpu.memory_space<hbm>> -> memref<64x128xf32, #tpu.memory_space<hbm>>
    tpu.enqueue_dma source(%arg13 : memref<64x128xf32, #tpu.memory_space<vmem>>) target(%dma_start3A_419 : memref<64x128xf32, #tpu.memory_space<hbm>>) target_semaphore(%arg33 : memref<!tpu.dma_semaphore, #tpu.memory_space<semaphore_mem>>)
    %dma_wait3A_420 = arith.constant 0 : i32
    %dma_wait3A_421 = arith.constant 0 : i32
    %dma_wait3A_422 = tpu.memref_slice %arg5[%dma_wait3A_420, %dma_wait3A_421] : memref<100x64xi32, #tpu.memory_space<vmem>> -> memref<1x64xi32, #tpu.memory_space<vmem>>
    %dma_wait3A_423 = tpu.memref_squeeze %dma_wait3A_422 : memref<1x64xi32, #tpu.memory_space<vmem>> -> memref<64xi32, #tpu.memory_space<vmem>>
    %dma_wait3A_424 = arith.constant 0 : i32
    %dma_wait3A_425 = arith.constant 0 : i32
    %dma_wait3A_426 = tpu.memref_slice %arg2[%dma_wait3A_424, %dma_wait3A_425] : memref<28996x128xf32, #tpu.memory_space<hbm>> -> memref<28996x128xf32, #tpu.memory_space<hbm>>
    tpu.wait_indirect_dma semaphore(%arg24 : memref<!tpu.dma_semaphore, #tpu.memory_space<semaphore_mem>>) src(%dma_wait3A_426 : memref<28996x128xf32, #tpu.memory_space<hbm>>) dst(%arg14 : memref<64x128xf32, #tpu.memory_space<vmem>>)
    %add3A_427 = arith.constant 6272 : i32
    %add3A_428 = arith.addi %mul3A_2, %add3A_427 : i32
    %dma_start3A_429 = arith.constant 0 : i32
    %dma_start3A_430 = tpu.memref_slice %arg4[%add3A_428, %dma_start3A_429] : memref<204800x128xf32, #tpu.memory_space<hbm>> -> memref<64x128xf32, #tpu.memory_space<hbm>>
    %dma_start3A_431 = arith.constant 0 : i32
    %dma_start3A_432 = tpu.memref_slice %arg4[%add3A_428, %dma_start3A_431] : memref<204800x128xf32, #tpu.memory_space<hbm>> -> memref<64x128xf32, #tpu.memory_space<hbm>>
    tpu.enqueue_dma source(%arg14 : memref<64x128xf32, #tpu.memory_space<vmem>>) target(%dma_start3A_432 : memref<64x128xf32, #tpu.memory_space<hbm>>) target_semaphore(%arg34 : memref<!tpu.dma_semaphore, #tpu.memory_space<semaphore_mem>>)
    %dma_wait3A_433 = arith.constant 0 : i32
    %dma_wait3A_434 = arith.constant 0 : i32
    %dma_wait3A_435 = tpu.memref_slice %arg5[%dma_wait3A_433, %dma_wait3A_434] : memref<100x64xi32, #tpu.memory_space<vmem>> -> memref<1x64xi32, #tpu.memory_space<vmem>>
    %dma_wait3A_436 = tpu.memref_squeeze %dma_wait3A_435 : memref<1x64xi32, #tpu.memory_space<vmem>> -> memref<64xi32, #tpu.memory_space<vmem>>
    %dma_wait3A_437 = arith.constant 0 : i32
    %dma_wait3A_438 = arith.constant 0 : i32
    %dma_wait3A_439 = tpu.memref_slice %arg2[%dma_wait3A_437, %dma_wait3A_438] : memref<28996x128xf32, #tpu.memory_space<hbm>> -> memref<28996x128xf32, #tpu.memory_space<hbm>>
    tpu.wait_indirect_dma semaphore(%arg25 : memref<!tpu.dma_semaphore, #tpu.memory_space<semaphore_mem>>) src(%dma_wait3A_439 : memref<28996x128xf32, #tpu.memory_space<hbm>>) dst(%arg15 : memref<64x128xf32, #tpu.memory_space<vmem>>)
    %add3A_440 = arith.constant 6336 : i32
    %add3A_441 = arith.addi %mul3A_2, %add3A_440 : i32
    %dma_start3A_442 = arith.constant 0 : i32
    %dma_start3A_443 = tpu.memref_slice %arg4[%add3A_441, %dma_start3A_442] : memref<204800x128xf32, #tpu.memory_space<hbm>> -> memref<64x128xf32, #tpu.memory_space<hbm>>
    %dma_start3A_444 = arith.constant 0 : i32
    %dma_start3A_445 = tpu.memref_slice %arg4[%add3A_441, %dma_start3A_444] : memref<204800x128xf32, #tpu.memory_space<hbm>> -> memref<64x128xf32, #tpu.memory_space<hbm>>
    tpu.enqueue_dma source(%arg15 : memref<64x128xf32, #tpu.memory_space<vmem>>) target(%dma_start3A_445 : memref<64x128xf32, #tpu.memory_space<hbm>>) target_semaphore(%arg35 : memref<!tpu.dma_semaphore, #tpu.memory_space<semaphore_mem>>)
    %dma_wait3A_446 = arith.constant 0 : i32
    %dma_wait3A_447 = tpu.memref_slice %arg4[%mul3A_2, %dma_wait3A_446] : memref<204800x128xf32, #tpu.memory_space<hbm>> -> memref<64x128xf32, #tpu.memory_space<hbm>>
    %dma_wait3A_448 = arith.constant 0 : i32
    %dma_wait3A_449 = tpu.memref_slice %arg4[%mul3A_2, %dma_wait3A_448] : memref<204800x128xf32, #tpu.memory_space<hbm>> -> memref<64x128xf32, #tpu.memory_space<hbm>>
    tpu.wait_dma2 semaphore(%arg26 : memref<!tpu.dma_semaphore, #tpu.memory_space<semaphore_mem>>) src(%arg6 : memref<64x128xf32, #tpu.memory_space<vmem>>) dst(%dma_wait3A_449 : memref<64x128xf32, #tpu.memory_space<hbm>>)
    %dma_wait3A_450 = arith.constant 0 : i32
    %dma_wait3A_451 = tpu.memref_slice %arg4[%mul3A_2, %dma_wait3A_450] : memref<204800x128xf32, #tpu.memory_space<hbm>> -> memref<64x128xf32, #tpu.memory_space<hbm>>
    %dma_wait3A_452 = arith.constant 0 : i32
    %dma_wait3A_453 = tpu.memref_slice %arg4[%mul3A_2, %dma_wait3A_452] : memref<204800x128xf32, #tpu.memory_space<hbm>> -> memref<64x128xf32, #tpu.memory_space<hbm>>
    tpu.wait_dma2 semaphore(%arg27 : memref<!tpu.dma_semaphore, #tpu.memory_space<semaphore_mem>>) src(%arg7 : memref<64x128xf32, #tpu.memory_space<vmem>>) dst(%dma_wait3A_453 : memref<64x128xf32, #tpu.memory_space<hbm>>)
    %dma_wait3A_454 = arith.constant 0 : i32
    %dma_wait3A_455 = tpu.memref_slice %arg4[%mul3A_2, %dma_wait3A_454] : memref<204800x128xf32, #tpu.memory_space<hbm>> -> memref<64x128xf32, #tpu.memory_space<hbm>>
    %dma_wait3A_456 = arith.constant 0 : i32
    %dma_wait3A_457 = tpu.memref_slice %arg4[%mul3A_2, %dma_wait3A_456] : memref<204800x128xf32, #tpu.memory_space<hbm>> -> memref<64x128xf32, #tpu.memory_space<hbm>>
    tpu.wait_dma2 semaphore(%arg28 : memref<!tpu.dma_semaphore, #tpu.memory_space<semaphore_mem>>) src(%arg8 : memref<64x128xf32, #tpu.memory_space<vmem>>) dst(%dma_wait3A_457 : memref<64x128xf32, #tpu.memory_space<hbm>>)
    %dma_wait3A_458 = arith.constant 0 : i32
    %dma_wait3A_459 = tpu.memref_slice %arg4[%mul3A_2, %dma_wait3A_458] : memref<204800x128xf32, #tpu.memory_space<hbm>> -> memref<64x128xf32, #tpu.memory_space<hbm>>
    %dma_wait3A_460 = arith.constant 0 : i32
    %dma_wait3A_461 = tpu.memref_slice %arg4[%mul3A_2, %dma_wait3A_460] : memref<204800x128xf32, #tpu.memory_space<hbm>> -> memref<64x128xf32, #tpu.memory_space<hbm>>
    tpu.wait_dma2 semaphore(%arg29 : memref<!tpu.dma_semaphore, #tpu.memory_space<semaphore_mem>>) src(%arg9 : memref<64x128xf32, #tpu.memory_space<vmem>>) dst(%dma_wait3A_461 : memref<64x128xf32, #tpu.memory_space<hbm>>)
    %dma_wait3A_462 = arith.constant 0 : i32
    %dma_wait3A_463 = tpu.memref_slice %arg4[%mul3A_2, %dma_wait3A_462] : memref<204800x128xf32, #tpu.memory_space<hbm>> -> memref<64x128xf32, #tpu.memory_space<hbm>>
    %dma_wait3A_464 = arith.constant 0 : i32
    %dma_wait3A_465 = tpu.memref_slice %arg4[%mul3A_2, %dma_wait3A_464] : memref<204800x128xf32, #tpu.memory_space<hbm>> -> memref<64x128xf32, #tpu.memory_space<hbm>>
    tpu.wait_dma2 semaphore(%arg30 : memref<!tpu.dma_semaphore, #tpu.memory_space<semaphore_mem>>) src(%arg10 : memref<64x128xf32, #tpu.memory_space<vmem>>) dst(%dma_wait3A_465 : memref<64x128xf32, #tpu.memory_space<hbm>>)
    %dma_wait3A_466 = arith.constant 0 : i32
    %dma_wait3A_467 = tpu.memref_slice %arg4[%mul3A_2, %dma_wait3A_466] : memref<204800x128xf32, #tpu.memory_space<hbm>> -> memref<64x128xf32, #tpu.memory_space<hbm>>
    %dma_wait3A_468 = arith.constant 0 : i32
    %dma_wait3A_469 = tpu.memref_slice %arg4[%mul3A_2, %dma_wait3A_468] : memref<204800x128xf32, #tpu.memory_space<hbm>> -> memref<64x128xf32, #tpu.memory_space<hbm>>
    tpu.wait_dma2 semaphore(%arg31 : memref<!tpu.dma_semaphore, #tpu.memory_space<semaphore_mem>>) src(%arg11 : memref<64x128xf32, #tpu.memory_space<vmem>>) dst(%dma_wait3A_469 : memref<64x128xf32, #tpu.memory_space<hbm>>)
    %dma_wait3A_470 = arith.constant 0 : i32
    %dma_wait3A_471 = tpu.memref_slice %arg4[%mul3A_2, %dma_wait3A_470] : memref<204800x128xf32, #tpu.memory_space<hbm>> -> memref<64x128xf32, #tpu.memory_space<hbm>>
    %dma_wait3A_472 = arith.constant 0 : i32
    %dma_wait3A_473 = tpu.memref_slice %arg4[%mul3A_2, %dma_wait3A_472] : memref<204800x128xf32, #tpu.memory_space<hbm>> -> memref<64x128xf32, #tpu.memory_space<hbm>>
    tpu.wait_dma2 semaphore(%arg32 : memref<!tpu.dma_semaphore, #tpu.memory_space<semaphore_mem>>) src(%arg12 : memref<64x128xf32, #tpu.memory_space<vmem>>) dst(%dma_wait3A_473 : memref<64x128xf32, #tpu.memory_space<hbm>>)
    %dma_wait3A_474 = arith.constant 0 : i32
    %dma_wait3A_475 = tpu.memref_slice %arg4[%mul3A_2, %dma_wait3A_474] : memref<204800x128xf32, #tpu.memory_space<hbm>> -> memref<64x128xf32, #tpu.memory_space<hbm>>
    %dma_wait3A_476 = arith.constant 0 : i32
    %dma_wait3A_477 = tpu.memref_slice %arg4[%mul3A_2, %dma_wait3A_476] : memref<204800x128xf32, #tpu.memory_space<hbm>> -> memref<64x128xf32, #tpu.memory_space<hbm>>
    tpu.wait_dma2 semaphore(%arg33 : memref<!tpu.dma_semaphore, #tpu.memory_space<semaphore_mem>>) src(%arg13 : memref<64x128xf32, #tpu.memory_space<vmem>>) dst(%dma_wait3A_477 : memref<64x128xf32, #tpu.memory_space<hbm>>)
    %dma_wait3A_478 = arith.constant 0 : i32
    %dma_wait3A_479 = tpu.memref_slice %arg4[%mul3A_2, %dma_wait3A_478] : memref<204800x128xf32, #tpu.memory_space<hbm>> -> memref<64x128xf32, #tpu.memory_space<hbm>>
    %dma_wait3A_480 = arith.constant 0 : i32
    %dma_wait3A_481 = tpu.memref_slice %arg4[%mul3A_2, %dma_wait3A_480] : memref<204800x128xf32, #tpu.memory_space<hbm>> -> memref<64x128xf32, #tpu.memory_space<hbm>>
    tpu.wait_dma2 semaphore(%arg34 : memref<!tpu.dma_semaphore, #tpu.memory_space<semaphore_mem>>) src(%arg14 : memref<64x128xf32, #tpu.memory_space<vmem>>) dst(%dma_wait3A_481 : memref<64x128xf32, #tpu.memory_space<hbm>>)
    %dma_wait3A_482 = arith.constant 0 : i32
    %dma_wait3A_483 = tpu.memref_slice %arg4[%mul3A_2, %dma_wait3A_482] : memref<204800x128xf32, #tpu.memory_space<hbm>> -> memref<64x128xf32, #tpu.memory_space<hbm>>
    %dma_wait3A_484 = arith.constant 0 : i32
    %dma_wait3A_485 = tpu.memref_slice %arg4[%mul3A_2, %dma_wait3A_484] : memref<204800x128xf32, #tpu.memory_space<hbm>> -> memref<64x128xf32, #tpu.memory_space<hbm>>
    tpu.wait_dma2 semaphore(%arg35 : memref<!tpu.dma_semaphore, #tpu.memory_space<semaphore_mem>>) src(%arg15 : memref<64x128xf32, #tpu.memory_space<vmem>>) dst(%dma_wait3A_485 : memref<64x128xf32, #tpu.memory_space<hbm>>)
    return
  }
}

</mosaic_0001>

<sc_bundles>
// kernel: kernel.3.cloned.1.call-start
scs
__scs_entry_jumppad:
0x0: {  	(pc) =	sbr.rel $0x88, $3  }
0x1: {  	(tag) =	ssettag $0x0;
	lr =	simm.s32 $0x1  }
0x2: {  	[smem:$0x3F9F] =	sst lr;
	_ =	strace $0xD0000000  }
0x3: {  	_ = 	snop  }
0x4: {  	_ = 	snop  }
0x5: {  	_ = 	snop  }
0x6: {  	_ = 	snop  }
0x7: {  	_ = 	snop  }
__scs_overlays_trampoline_lowered:
0x8: {  	[smem:$0x3FAE] =	sst s0  }
0x9: {  	[smem:$0x3FAF] =	sst s1  }
0xa: {  	[smem:$0x3FB0] =	sst s2  }
0xb: {  	[smem:$0x3FB1] =	sst s3  }
0xc: {  	[smem:$0x3FB2] =	sst s4  }
0xd: {  	[smem:$0x3FB3] =	sst s5  }
0xe: {  	[smem:$0x3FB4] =	sst s6  }
0xf: {  	[smem:$0x3FB5] =	sst s7  }
0x10: {  	[smem:$0x3FB6] =	sst s8  }
0x11: {  	[smem:$0x3FB7] =	sst s9;
	s0 =	simm.s32 @!p0 $0x0  }
0x12: {  	s1 =	sld [smem:$0x3F9D];
	s0 =	simm.s32 @p0 $0x1  }
0x13: {  	[smem:$0x3FB8] =	sst s0;
	s0 =	simm.s32 @!p1 $0x0  }
0x14: {  	s2 =	sld [smem:$0x3F9C];
	s0 =	simm.s32 @p1 $0x1  }
0x15: {  	[smem:$0x3FB9] =	sst s0;
	s0 =	simm.s32 @!p2 $0x0  }
0x16: {  	s3 =	sld [smem:$0x3FDB];
	s0 =	simm.s32 @p2 $0x1  }
0x17: {  	s4 =	simm.s32 $0x1BF5;
	[smem:$0x3FBB] =	sst s0  }
0x18: {  	s0 =	sld [smem:$0x3F9E];
	_ =	swait.ge [sflag:s4], $0x0  }
0x19: {  	s7 =	sld [smem:$0x3F9F]  }
0x1a: {  	s8 =	sadd.s32 $0xFFFFE003, lr  }
0x1b: {  	s9 =	sadd.s32 $0xFFFFFEF7, lr;
	s5 =	simm.s32 $0xFFFFFFFF;
	p2 =	slt.u32 s8, $0xFFFFF086  }
0x1c: {  	p1 =	slt.u32 s9, $0xF7A;
	s5 =	simm.s32 @!p2 $0x0  }
0x1d: {  	s5 =	simm.s32 @p1 $0x1;
	p0 =	seq.s32 s7, s2  }
0x1e: {  	s7 =	smul.u32 @!p0 $0xF7A, s2;
	p2 =	seq.s32 @!p0 s5, $0x0  }
0x1f: {  	s9 =	smul.u32 $0xF7A, s1;
	s8 =	simm.s32 @!p0 $0x1BF5;
	p2 =	por !p2, p0  }
0x20: {  	[sflag:s8] =	ssyncset.s32 @!p0 $0xFFFFF086;
	s6 =	sadd.s32 @!p0 s3, s7;
	s7 =	simm.s32 @!p0 $0x108  }
0x21: {  	s3 =	sadd.s32 s3, s9;
	s6 =	sadd.s32 @!p0 $0x88, s6;
	s7 =	simm.s32 @p2 $0x1082  }
0x22: {  	[simem:s7], [sflag:s8] =	dma.local @!p0 [hbm:s6], $0xF7A  }
0x23: {  	s9 =	sor.u32 $0xD0000000, s2;
	s6 =	simm.s32 $0x108;
	_ =	swait.ge @!p0 [sflag:s8], $0x0  }
0x24: {  	s3 =	sadd.s32 $0x88, s3;
	s6 =	simm.s32 @!p1 $0x1082;
	[sflag:s4] =	ssyncset.s32 $0xFFFFF086  }
0x25: {  	[simem:s6], [sflag:s4] =	dma.local [hbm:s3], $0xF7A  }
0x26: {  	[smem:$0x3F9F] =	sst s1;
	(tag) =	ssettag s2;
	_ =	strace s9  }
0x27: {  	s1 =	sld [smem:$0x3FAF]  }
0x28: {  	s2 =	sld [smem:$0x3FB0]  }
0x29: {  	s4 =	sld [smem:$0x3FB2]  }
0x2a: {  	p0 =	seq.s32 s5, $0x0;
	s5 =	sld [smem:$0x3FB3]  }
0x2b: {  	s6 =	sld [smem:$0x3FB4]  }
0x2c: {  	s7 =	sld [smem:$0x3FB5]  }
0x2d: {  	s3 =	simm.s32 $0x108;
	s8 =	sld [smem:$0x3FB6]  }
0x2e: {  	s3 =	simm.s32 @!p0 $0x1082;
	s9 =	sld [smem:$0x3FB7]  }
0x2f: {  	lr =	sadd.s32 s0, s3;
	s0 =	sld [smem:$0x3FAE]  }
0x30: {  	s3 =	sld [smem:$0x3FB1]  }
0x31: {  	[smem:$0x3FBA] =	sst s10  }
0x32: {  	s10 =	sld [smem:$0x3FB8];
	_ =	sdelay $0x3  }
0x33: {  	p0 =	seq.s32 s10, $0x1;
	s10 =	sld [smem:$0x3FBA];
	_ =	sdelay $0x3  }
0x34: {  	[smem:$0x3FBA] =	sst s10  }
0x35: {  	s10 =	sld [smem:$0x3FB9];
	_ =	sdelay $0x3  }
0x36: {  	p1 =	seq.s32 s10, $0x1;
	s10 =	sld [smem:$0x3FBA];
	_ =	sdelay $0x3  }
0x37: {  	[smem:$0x3FBA] =	sst s10  }
0x38: {  	s10 =	sld [smem:$0x3FBB]  }
0x39: {  	_ = 	snop;
	(pc) =	sbr.ind lr, $3  }
0x3a: {  	_ = 	snop  }
0x3b: {  	_ = 	snop  }
0x3c: {  	p2 =	seq.s32 s10, $0x1;
	s10 =	sld [smem:$0x3FBA]  }
0x3d: {  	_ =	shalt  }
0x3e: {  	_ =	shalt  }
0x3f: {  	_ =	shalt  }
0x40: {  	_ =	shalt  }
0x41: {  	_ =	shalt  }
0x42: {  	_ =	shalt  }
0x43: {  	_ =	shalt  }
0x44: {  	_ =	shalt  }
0x45: {  	_ =	shalt  }
0x46: {  	_ =	shalt  }
0x47: {  	_ =	shalt  }
0x48: {  	_ =	shalt  }
0x49: {  	_ =	shalt  }
0x4a: {  	_ =	shalt  }
0x4b: {  	_ =	shalt  }
0x4c: {  	_ =	shalt  }
0x4d: {  	_ =	shalt  }
0x4e: {  	_ =	shalt  }
0x4f: {  	_ =	shalt  }
0x50: {  	_ =	shalt  }
0x51: {  	_ =	shalt  }
0x52: {  	_ =	shalt  }
0x53: {  	_ =	shalt  }
0x54: {  	_ =	shalt  }
0x55: {  	_ =	shalt  }
0x56: {  	_ =	shalt  }
0x57: {  	_ =	shalt  }
0x58: {  	_ =	shalt  }
0x59: {  	_ =	shalt  }
0x5a: {  	_ =	shalt  }
0x5b: {  	_ =	shalt  }
0x5c: {  	_ =	shalt  }
0x5d: {  	_ =	shalt  }
0x5e: {  	_ =	shalt  }
0x5f: {  	_ =	shalt  }
0x60: {  	_ =	shalt  }
0x61: {  	_ =	shalt  }
0x62: {  	_ =	shalt  }
0x63: {  	_ =	shalt  }
0x64: {  	_ =	shalt  }
0x65: {  	_ =	shalt  }
0x66: {  	_ =	shalt  }
0x67: {  	_ =	shalt  }
0x68: {  	_ =	shalt  }
0x69: {  	_ =	shalt  }
0x6a: {  	_ =	shalt  }
0x6b: {  	_ =	shalt  }
0x6c: {  	_ =	shalt  }
0x6d: {  	_ =	shalt  }
0x6e: {  	_ =	shalt  }
0x6f: {  	_ =	shalt  }
0x70: {  	_ =	shalt  }
0x71: {  	_ =	shalt  }
0x72: {  	_ =	shalt  }
0x73: {  	_ =	shalt  }
0x74: {  	_ =	shalt  }
0x75: {  	_ =	shalt  }
0x76: {  	_ =	shalt  }
0x77: {  	_ =	shalt  }
0x78: {  	_ =	shalt  }
0x79: {  	_ =	shalt  }
0x7a: {  	_ =	shalt  }
0x7b: {  	_ =	shalt  }
0x7c: {  	_ =	shalt  }
0x7d: {  	_ =	shalt  }
0x7e: {  	_ =	shalt  }
0x7f: {  	_ =	shalt  }
0x80: {  	_ =	shalt  }
0x81: {  	_ =	shalt  }
0x82: {  	_ =	shalt  }
0x83: {  	_ =	shalt  }
0x84: {  	_ =	shalt  }
0x85: {  	_ =	shalt  }
0x86: {  	_ =	shalt  }
0x87: {  	_ =	shalt  }
.Lfunc_end0:
.L_simem_size_0:
called_computation_lowered:
.L_overlay_start_0:
0x88: {  	s2 =	sld [smem:$0x3FD9]  }
0x89: {  	s3 =	sld [smem:$0x3FFE];
	_ =	sdelay $0x1  }
0x8a: {  	s1 =	srdreg.scid  }
0x8b: {  	s0 =	sand.u32 $0x1, s1  }
0x8c: {  	s17 =	sshll.u32 s0, $0xA;
	s2 =	sadd.s32 s3, s2  }
0x8d: {  	s2 =	sadd.s32 s2, s17  }
0x8e: {  	[smem:$0x3FC6] =	sst s2  }
0x8f: {  	_ = 	snop  }
0x90: {  	s2 =	sld [smem:$0x3FC8]  }
0x91: {  	s18 =	sld [smem:$0x3FD0];
	(tm) =	ssettm $0x1  }
0x92: {  	s4 =	sld [smem:$0x3FFB];
	_ =	sdelay $0x3  }
0x93: {  	_ =	strace s4  }
0x94: {  	s4 =	sld [smem:$0x3FFC];
	_ =	sdelay $0x3  }
0x95: {  	_ =	strace s4  }
0x96: {  	s4 =	sld [smem:$0x3FFD];
	_ =	sdelay $0x3  }
0x97: {  	_ =	strace s4  }
0x98: {  	_ =	strace $0x8FFFFFFF  }
0x99: {  	s19 =	sld [smem:$0x3FDB];
	_ =	sdelay $0x1  }
0x9a: {  	s5 =	simm.s32 $_scs_section_size  }
0x9b: {  	s6 =	simm.s32 $_size__tile_overlayer_lowered;
	s7 =	simm.s32 $_tile_overlayer_lowered  }
0x9c: {  	s22 =	simm.s32 $0x1BFF;
	s21 =	sshll.u32 s7, $0x1;
	s4 =	sadd.s32 s5, s19  }
0x9d: {  	s8 =	simm.s32 $0x0;
	s20 =	sshll.u32 s6, $0x1;
	s6 =	sadd.s32 s21, s4  }
0x9e: {  	[timem:s8], [sflag:s22] =	dma.local [hbm:s6], s20  }
0x9f: {  	_ =	swait.ge [sflag:s22], s20  }
0xa0: {  	s5 =	ssub.s32 $0x0, s20;
	[sflag:s22] =	ssyncset.done $0x0  }
0xa1: {  	[sflag:s22] =	ssyncadd.s32 s5;
	_ =	sdelay $0x1  }
0xa2: {  	s23 =	simm.s32 $0x1B8B  }
0xa3: {  	_ =	swait.ge [sflag:s23], $0x1  }
0xa4: {  	[sflag:s23] =	ssyncset.done $0x0  }
0xa5: {  	s25 =	simm.s32 $0x1B8E;
	s24 =	sld [smem:$0x3FFE];
	[sflag:s23] =	ssyncadd.s32 $0xFFFFFFFF  }
0xa6: {  	s26 =	simm.s32 $execute0_lowered;
	[smem:$0x3FD2] =	sst s25  }
0xa7: {  	s6 =	sshll.u32 s26, $0x1;
	_ =	strace $0x80000046;
	[dreg:$0x1] =	wrdreg $0xFFFFFFFF  }
0xa8: {  	s28 =	simm.s32 $_size_execute0_lowered;
	s4 =	sadd.s32 s4, s6;
	[dreg:$0x0] =	wrdreg $0x0  }
0xa9: {  	s6 =	sshll.u32 s28, $0x1;
	[dreg:$0x2] =	wrdreg s4  }
0xaa: {  	[dreg:$0x3] =	wrdreg s6  }
0xab: {  	[dreg:$0x4] =	wrdreg $0xC0  }
0xac: {  	_ =	task [dreg:s8], $0x5FFFF  }
0xad: {  	[dreg:$0x1] =	wrdreg $0xFFFFFFFF  }
0xae: {  	[dreg:$0x0] =	wrdreg $0x60  }
0xaf: {  	[dreg:$0x2] =	wrdreg s2  }
0xb0: {  	[dreg:$0x3] =	wrdreg s24  }
0xb1: {  	[dreg:$0x4] =	wrdreg s18  }
0xb2: {  	[dreg:$0x5] =	wrdreg $0x9  }
0xb3: {  	_ =	task.clear_ibuf [dreg:s8], $0x6FFFF;
	_ =	strace $0x90000046  }
0xb4: {  	s29 =	simm.s32 $0x9;
	_ =	strace $0x80000048  }
0xb5: {  	_ =	swait.ge [sflag:s29], $0x1  }
0xb6: {  	[sflag:s29] =	ssyncadd.s32 $0xFFFFFFFF  }
0xb7: {  	_ =	strace $0x90000048  }
0xb8: {  	_ =	sfence  }
0xb9: {  	s30 =	sld [smem:$0x0];
	_ =	sdelay $0x2  }
0xba: {  	s31 =	sshll.u32 s1, $0xD;
	s1 =	sshrl.u32 s1, $0x2  }
0xbb: {  	s3 =	sand.u32 $0x4000, s31;
	s1 =	sadd.s32 s1, s30  }
0xbc: {  	s0 =	sor.u32 s3, s0;
	s1 =	sshll.u32 s1, $0x11  }
0xbd: {  	s0 =	sor.u32 s1, s0  }
0xbe: {  	s0 =	sadd.s32 $0x8F2B, s0  }
0xbf: {  	[sflag:s0] =	ssyncadd.remote.s32 $0x1  }
0xc0: {  	_ =	sfence.sel $0xFFFF  }
0xc1: {  	[dreg:$0x0] =	wrdreg $0xFFFFFFFF;
	(pc) =	sbr.abs _section_cstart, $3  }
0xc2: {  	[dreg:$0x1] =	wrdreg $0xFFFFFFFF  }
0xc3: {  	_ =	task.clear_ibuf [dreg:s8], $0x2FFFF;
	_ =	strace $0x9FFFFFFF  }
0xc4: {  	(tm) =	ssettm $0x7FFFFFFF  }
0xc5: {  	_ =	shalt  }
tec
execute0_lowered:
.L_overlay_start_1:
0x0: {  	(tag) =	ssettag $0x1  }
0x1: {  	s0 =	srdreg.scid;
	s8 =	stileid.u32  }
0x2: {  	s0 =	sand.u32 $0x1, s0;
	s31 =	smul.u32 $0x32000, s8  }
0x3: {  	s1 =	rddreg [dreg:$0x0];
	s2 =	sshll.u32 s8, $0x1;
	s15 =	smul.u32 $0xC8000, s0  }
0x4: {  	s2 =	sor.u32 s0, s2;
	s7 =	ssub.s32 $0x2, s0;
	s0 =	smul.u32 $0x19000, s0  }
0x5: {  	s3 =	rddreg [dreg:$0x1];
	s4 =	simm.s32 $0x0;
	s5 =	smul.u32 $0x680, s2  }
0x6: {  	[smem:$0x7FF] =	sst s4;
	s6 =	smul.u32 $0x19000, s2  }
0x7: {  	s9 =	rddreg [dreg:$0x2];
	_ =	strace $0x80000047;
	s0 =	sadd.s32 s0, s31  }
0x8: {  	s3 =	sadd.s32 s5, s3;
	s10 =	sadd.s32 s9, s6;
	[dreg:$0x4] =	wrdreg s0  }
0x9: {  	s2 =	smul.u32 $0xC8000, s2;
	s3 =	sadd.s32 $0x400, s3;
	[dreg:$0x6] =	wrdreg s10  }
0xa: {  	s21 =	sadd.s32 $0x400, s10;
	[dreg:$0x7] =	wrdreg s3  }
0xb: {  	s2 =	sshrl.u32 s2, $0x3;
	s22 =	sadd.s32 $0x800, s10;
	[dreg:$0x8] =	wrdreg s21  }
0xc: {  	s2 =	sadd.s32 s9, s2;
	s31 =	sadd.s32 $0xC00, s10;
	[dreg:$0x9] =	wrdreg s22  }
0xd: {  	s23 =	sadd.s32 $0x1000, s2;
	[dreg:$0x1b] =	wrdreg s31  }
0xe: {  	s24 =	sadd.s32 $0x1400, s2;
	[dreg:$0xa] =	wrdreg s23  }
0xf: {  	s25 =	sadd.s32 $0x1800, s2;
	[dreg:$0xb] =	wrdreg s24  }
0x10: {  	s26 =	sadd.s32 $0x1C00, s2;
	[dreg:$0xc] =	wrdreg s25  }
0x11: {  	s29 =	simm.s32 $0x40;
	s9 =	sadd.s32 $0x2000, s2;
	[dreg:$0xd] =	wrdreg s26  }
0x12: {  	s28 =	simm.s32 $0xA;
	s11 =	sadd.s32 $0x2400, s2;
	[dreg:$0xe] =	wrdreg s9  }
0x13: {  	s30 =	simm.s32 $0x13;
	s13 =	sadd.s32 $0x16800, s2;
	[dreg:$0xf] =	wrdreg s11  }
0x14: {  	s12 =	smul.u32 $0x190000, s8;
	s14 =	sadd.s32 $0x16C00, s2;
	[dreg:$0x10] =	wrdreg s13  }
0x15: {  	s20 =	sshrl.u32 s7, $0x1;
	s16 =	sadd.s32 $0x17000, s2;
	[dreg:$0x11] =	wrdreg s14  }
0x16: {  	s5 =	ssub.s32 s7, s20;
	s17 =	sadd.s32 $0x17400, s2;
	[dreg:$0x12] =	wrdreg s16  }
0x17: {  	s6 =	sadd.s32 s15, s12;
	s18 =	sadd.s32 $0x17800, s2;
	[dreg:$0x13] =	wrdreg s17  }
0x18: {  	s19 =	sadd.s32 $0x17C00, s2;
	s20 =	sadd.s32 $0x18000, s2;
	[dreg:$0x14] =	wrdreg s18  }
0x19: {  	s21 =	sadd.s32 $0x26000, s6;
	s22 =	sadd.s32 $0x18400, s2;
	[dreg:$0x15] =	wrdreg s19  }
0x1a: {  	s3 =	simm.s32 $0x12;
	s6 =	simm.s32 $0x0;
	[dreg:$0x16] =	wrdreg s20  }
0x1b: {  	[dreg:$0x17] =	wrdreg s22;
	s23 =	sshrl.u32 s21, $0x3;
	s24 =	sadd.s32 $0x18800, s2  }
0x1c: {  	s25 =	sadd.s32 $0x18C00, s2;
	s26 =	smax.u32 s5, $0x1;
	[dreg:$0x5] =	wrdreg s23  }
0x1d: {  	s20 =	simm.s32 $0xE;
	s21 =	simm.s32 $0x6;
	[dreg:$0x18] =	wrdreg s24  }
0x1e: {  	s22 =	simm.s32 $0xF;
	s5 =	simm.s32 $0x9;
	[dreg:$0x19] =	wrdreg s25  }
0x1f: {  	s2 =	simm.s32 $0x14;
	[dreg:$0x1a] =	wrdreg s26;
	s23 =	simm.s32 $0x7  }
0x20: {  	s24 =	simm.s32 $0x10;
	s25 =	simm.s32 $0x8;
	s26 =	simm.s32 $0x11  }
.LBB2_1:
0x21: {  	[dreg:$0x1c] =	wrdreg s6  }
0x22: {  	s0 =	rddreg [dreg:$0x7];
	s8 =	simm.s32 $0x15  }
0x23: {  	[tilespmem:s4], [sflag:$0x15] =	stream.linear.gather [hbm4b:s0+s4], $0x3200, $0x38;
	[tilespmem:$0x17400] =	vst v63  }
0x24: {  	_ =	swait.ge [sflag:s8], $0x3200  }
0x25: {  	[sflag:s8] =	ssyncset.done $0x0  }
0x26: {  	s14 =	simm.s32 $0x3400;
	[sflag:s8] =	ssyncadd.s32 $0xFFFFCE00  }
0x27: {  	[tilespmem:s14], [sflag:$0x1] =	stream.indirect.gather [hbm4b:s1+s29], $0x80, s4, s29, $0xb8;
	[tilespmem:$0x17400] =	vst v63  }
0x28: {  	s9 =	simm.s32 $0x80;
	s15 =	simm.s32 $0x5400  }
0x29: {  	[tilespmem:s15], [sflag:$0x2] =	stream.indirect.gather [hbm4b:s1+s29], $0x80, s9, s29, $0xb8;
	[tilespmem:$0x17400] =	vst v63  }
0x2a: {  	s10 =	simm.s32 $0x100;
	s16 =	simm.s32 $0x7400  }
0x2b: {  	[tilespmem:s16], [sflag:$0x3] =	stream.indirect.gather [hbm4b:s1+s29], $0x80, s10, s29, $0xb8;
	[tilespmem:$0x17400] =	vst v63  }
0x2c: {  	s11 =	simm.s32 $0x180;
	s17 =	simm.s32 $0x9400  }
0x2d: {  	[tilespmem:s17], [sflag:$0x4] =	stream.indirect.gather [hbm4b:s1+s29], $0x80, s11, s29, $0xb8;
	[tilespmem:$0x17400] =	vst v63  }
0x2e: {  	s12 =	simm.s32 $0x200;
	s13 =	simm.s32 $0xB400  }
0x2f: {  	[tilespmem:s13], [sflag:$0x5] =	stream.indirect.gather [hbm4b:s1+s29], $0x80, s12, s29, $0xb8;
	[tilespmem:$0x17400] =	vst v63  }
0x30: {  	s18 =	simm.s32 $0x280;
	s19 =	simm.s32 $0xD400  }
0x31: {  	[tilespmem:s19], [sflag:$0x6] =	stream.indirect.gather [hbm4b:s1+s29], $0x80, s18, s29, $0xb8;
	[tilespmem:$0x17400] =	vst v63  }
0x32: {  	s7 =	simm.s32 $0x300;
	s8 =	simm.s32 $0xF400  }
0x33: {  	[tilespmem:s8], [sflag:$0x7] =	stream.indirect.gather [hbm4b:s1+s29], $0x80, s7, s29, $0xb8;
	[tilespmem:$0x17400] =	vst v63  }
0x34: {  	s9 =	simm.s32 $0x380;
	s10 =	simm.s32 $0x11400  }
0x35: {  	[tilespmem:s10], [sflag:$0x8] =	stream.indirect.gather [hbm4b:s1+s29], $0x80, s9, s29, $0xb8;
	[tilespmem:$0x17400] =	vst v63  }
0x36: {  	s11 =	simm.s32 $0x400;
	s12 =	simm.s32 $0x13400  }
0x37: {  	[tilespmem:s12], [sflag:$0x9] =	stream.indirect.gather [hbm4b:s1+s29], $0x80, s11, s29, $0xb8;
	[tilespmem:$0x17400] =	vst v63  }
0x38: {  	s13 =	simm.s32 $0x480;
	s18 =	simm.s32 $0x15400;
	s8 =	simm.s32 $0x1  }
0x39: {  	[tilespmem:s18], [sflag:$0xA] =	stream.indirect.gather [hbm4b:s1+s29], $0x80, s13, s29, $0xb8;
	[tilespmem:$0x17400] =	vst v63  }
0x3a: {  	_ =	swait.ge [sflag:s8], $0x2000  }
0x3b: {  	[sflag:s8] =	ssyncset.done $0x0  }
0x3c: {  	s18 =	simm.s32 $0x2;
	s19 =	rddreg [dreg:$0x6];
	[sflag:s8] =	ssyncadd.s32 $0xFFFFE000  }
0x3d: {  	[hbm4b:s19+s4] =	stream.linear.scatter [tilespmem:s14], [sflag:$0xB], $0x2000, $0x38;
	[tilespmem:$0x17400] =	vst v63  }
0x3e: {  	_ =	swait.ge [sflag:s18], $0x2000  }
0x3f: {  	[sflag:s18] =	ssyncset.done $0x0  }
0x40: {  	s19 =	simm.s32 $0xB;
	s6 =	rddreg [dreg:$0x8];
	[sflag:s18] =	ssyncadd.s32 $0xFFFFE000  }
0x41: {  	[hbm4b:s6+s4] =	stream.linear.scatter [tilespmem:s15], [sflag:$0xC], $0x2000, $0x38;
	[tilespmem:$0x17400] =	vst v63  }
0x42: {  	_ =	swait.ge [sflag:s19], $0x2000  }
0x43: {  	[sflag:s19] =	ssyncset.done $0x0  }
0x44: {  	s31 =	simm.s32 $0x3;
	s7 =	simm.s32 $0x500;
	[sflag:s19] =	ssyncadd.s32 $0xFFFFE000  }
0x45: {  	[tilespmem:s14], [sflag:$0x1] =	stream.indirect.gather [hbm4b:s1+s29], $0x80, s7, s29, $0xb8;
	[tilespmem:$0x17400] =	vst v63  }
0x46: {  	_ =	swait.ge [sflag:s31], $0x2000  }
0x47: {  	[sflag:s31] =	ssyncset.done $0x0  }
0x48: {  	s9 =	rddreg [dreg:$0x9];
	[sflag:s31] =	ssyncadd.s32 $0xFFFFE000  }
0x49: {  	[hbm4b:s9+s4] =	stream.linear.scatter [tilespmem:s16], [sflag:$0xD], $0x2000, $0x38;
	[tilespmem:$0x17400] =	vst v63  }
0x4a: {  	s9 =	simm.s32 $0xC  }
0x4b: {  	_ =	swait.ge [sflag:s9], $0x2000  }
0x4c: {  	[sflag:s9] =	ssyncset.done $0x0  }
0x4d: {  	s10 =	simm.s32 $0x580;
	[sflag:s9] =	ssyncadd.s32 $0xFFFFE000  }
0x4e: {  	[tilespmem:s15], [sflag:$0x2] =	stream.indirect.gather [hbm4b:s1+s29], $0x80, s10, s29, $0xb8;
	[tilespmem:$0x17400] =	vst v63  }
0x4f: {  	s10 =	simm.s32 $0x4  }
0x50: {  	_ =	swait.ge [sflag:s10], $0x2000  }
0x51: {  	[sflag:s10] =	ssyncset.done $0x0  }
0x52: {  	s11 =	rddreg [dreg:$0x1b];
	[sflag:s10] =	ssyncadd.s32 $0xFFFFE000  }
0x53: {  	[hbm4b:s11+s4] =	stream.linear.scatter [tilespmem:s17], [sflag:$0xE], $0x2000, $0x38;
	[tilespmem:$0x17400] =	vst v63  }
0x54: {  	s11 =	simm.s32 $0xD  }
0x55: {  	_ =	swait.ge [sflag:s11], $0x2000  }
0x56: {  	[sflag:s11] =	ssyncset.done $0x0  }
0x57: {  	s12 =	simm.s32 $0x600;
	[sflag:s11] =	ssyncadd.s32 $0xFFFFE000  }
0x58: {  	[tilespmem:s16], [sflag:$0x3] =	stream.indirect.gather [hbm4b:s1+s29], $0x80, s12, s29, $0xb8;
	[tilespmem:$0x17400] =	vst v63  }
0x59: {  	s12 =	simm.s32 $0x5  }
0x5a: {  	_ =	swait.ge [sflag:s12], $0x2000  }
0x5b: {  	[sflag:s12] =	ssyncset.done $0x0  }
0x5c: {  	s7 =	simm.s32 $0xB400;
	s6 =	rddreg [dreg:$0xa];
	[sflag:s12] =	ssyncadd.s32 $0xFFFFE000  }
0x5d: {  	[hbm4b:s6+s4] =	stream.linear.scatter [tilespmem:s7], [sflag:$0xF], $0x2000, $0x38;
	[tilespmem:$0x17400] =	vst v63  }
0x5e: {  	_ =	swait.ge [sflag:s20], $0x2000  }
0x5f: {  	[sflag:s20] =	ssyncset.done $0x0  }
0x60: {  	s6 =	simm.s32 $0x680;
	[sflag:s20] =	ssyncadd.s32 $0xFFFFE000  }
0x61: {  	[tilespmem:s17], [sflag:$0x4] =	stream.indirect.gather [hbm4b:s1+s29], $0x80, s6, s29, $0xb8;
	[tilespmem:$0x17400] =	vst v63  }
0x62: {  	_ =	swait.ge [sflag:s21], $0x2000  }
0x63: {  	[sflag:s21] =	ssyncset.done $0x0  }
0x64: {  	s6 =	simm.s32 $0xD400;
	s0 =	rddreg [dreg:$0xb];
	[sflag:s21] =	ssyncadd.s32 $0xFFFFE000  }
0x65: {  	[hbm4b:s0+s4] =	stream.linear.scatter [tilespmem:s6], [sflag:$0x10], $0x2000, $0x38;
	[tilespmem:$0x17400] =	vst v63  }
0x66: {  	_ =	swait.ge [sflag:s22], $0x2000  }
0x67: {  	[sflag:s22] =	ssyncset.done $0x0  }
0x68: {  	s0 =	simm.s32 $0x700;
	[sflag:s22] =	ssyncadd.s32 $0xFFFFE000  }
0x69: {  	[tilespmem:s7], [sflag:$0x5] =	stream.indirect.gather [hbm4b:s1+s29], $0x80, s0, s29, $0xb8;
	[tilespmem:$0x17400] =	vst v63  }
0x6a: {  	_ =	swait.ge [sflag:s23], $0x2000  }
0x6b: {  	[sflag:s23] =	ssyncset.done $0x0  }
0x6c: {  	s7 =	simm.s32 $0xF400;
	s0 =	rddreg [dreg:$0xc];
	[sflag:s23] =	ssyncadd.s32 $0xFFFFE000  }
0x6d: {  	[hbm4b:s0+s4] =	stream.linear.scatter [tilespmem:s7], [sflag:$0x11], $0x2000, $0x38;
	[tilespmem:$0x17400] =	vst v63  }
0x6e: {  	_ =	swait.ge [sflag:s24], $0x2000  }
0x6f: {  	[sflag:s24] =	ssyncset.done $0x0  }
0x70: {  	s0 =	simm.s32 $0x780;
	[sflag:s24] =	ssyncadd.s32 $0xFFFFE000  }
0x71: {  	[tilespmem:s6], [sflag:$0x6] =	stream.indirect.gather [hbm4b:s1+s29], $0x80, s0, s29, $0xb8;
	[tilespmem:$0x17400] =	vst v63  }
0x72: {  	_ =	swait.ge [sflag:s25], $0x2000  }
0x73: {  	[sflag:s25] =	ssyncset.done $0x0  }
0x74: {  	s6 =	simm.s32 $0x11400;
	s0 =	rddreg [dreg:$0xd];
	[sflag:s25] =	ssyncadd.s32 $0xFFFFE000  }
0x75: {  	[hbm4b:s0+s4] =	stream.linear.scatter [tilespmem:s6], [sflag:$0x12], $0x2000, $0x38;
	[tilespmem:$0x17400] =	vst v63  }
0x76: {  	_ =	swait.ge [sflag:s26], $0x2000  }
0x77: {  	[sflag:s26] =	ssyncset.done $0x0  }
0x78: {  	s0 =	simm.s32 $0x800;
	[sflag:s26] =	ssyncadd.s32 $0xFFFFE000  }
0x79: {  	[tilespmem:s7], [sflag:$0x7] =	stream.indirect.gather [hbm4b:s1+s29], $0x80, s0, s29, $0xb8;
	[tilespmem:$0x17400] =	vst v63  }
0x7a: {  	_ =	swait.ge [sflag:s5], $0x2000  }
0x7b: {  	[sflag:s5] =	ssyncset.done $0x0  }
0x7c: {  	s7 =	simm.s32 $0x13400;
	s0 =	rddreg [dreg:$0xe];
	[sflag:s5] =	ssyncadd.s32 $0xFFFFE000  }
0x7d: {  	[hbm4b:s0+s4] =	stream.linear.scatter [tilespmem:s7], [sflag:$0x13], $0x2000, $0x38;
	[tilespmem:$0x17400] =	vst v63  }
0x7e: {  	_ =	swait.ge [sflag:s3], $0x2000  }
0x7f: {  	[sflag:s3] =	ssyncset.done $0x0  }
0x80: {  	s0 =	simm.s32 $0x880;
	[sflag:s3] =	ssyncadd.s32 $0xFFFFE000  }
0x81: {  	[tilespmem:s6], [sflag:$0x8] =	stream.indirect.gather [hbm4b:s1+s29], $0x80, s0, s29, $0xb8;
	[tilespmem:$0x17400] =	vst v63  }
0x82: {  	_ =	swait.ge [sflag:s28], $0x2000  }
0x83: {  	[sflag:s28] =	ssyncset.done $0x0  }
0x84: {  	s13 =	simm.s32 $0x15400;
	s6 =	rddreg [dreg:$0xf];
	[sflag:s28] =	ssyncadd.s32 $0xFFFFE000  }
0x85: {  	[hbm4b:s6+s4] =	stream.linear.scatter [tilespmem:s13], [sflag:$0x14], $0x2000, $0x38;
	[tilespmem:$0x17400] =	vst v63  }
0x86: {  	_ =	swait.ge [sflag:s30], $0x2000  }
0x87: {  	[sflag:s30] =	ssyncset.done $0x0  }
0x88: {  	s6 =	simm.s32 $0x900;
	[sflag:s30] =	ssyncadd.s32 $0xFFFFE000  }
0x89: {  	[tilespmem:s7], [sflag:$0x9] =	stream.indirect.gather [hbm4b:s1+s29], $0x80, s6, s29, $0xb8;
	[tilespmem:$0x17400] =	vst v63  }
0x8a: {  	_ =	swait.ge [sflag:s8], $0x2000  }
0x8b: {  	s6 =	rddreg [dreg:$0x4];
	[sflag:s8] =	ssyncset.done $0x0  }
0x8c: {  	s7 =	rddreg [dreg:$0x2]  }
0x8d: {  	s0 =	sadd.s32 s7, s6  }
0x8e: {  	[sflag:s8] =	ssyncadd.s32 $0xFFFFE000;
	s8 =	sadd.s32 $0x2800, s0  }
0x8f: {  	[hbm4b:s8+s4] =	stream.linear.scatter [tilespmem:s14], [sflag:$0xB], $0x2000, $0x38;
	[tilespmem:$0x17400] =	vst v63  }
0x90: {  	_ =	swait.ge [sflag:s2], $0x2000  }
0x91: {  	[sflag:s2] =	ssyncset.done $0x0  }
0x92: {  	s13 =	simm.s32 $0x15400;
	s8 =	simm.s32 $0x980;
	[sflag:s2] =	ssyncadd.s32 $0xFFFFE000  }
0x93: {  	[tilespmem:s13], [sflag:$0xA] =	stream.indirect.gather [hbm4b:s1+s29], $0x80, s8, s29, $0xb8;
	[tilespmem:$0x17400] =	vst v63  }
0x94: {  	_ =	swait.ge [sflag:s18], $0x2000  }
0x95: {  	[sflag:s18] =	ssyncset.done $0x0  }
0x96: {  	s13 =	sadd.s32 $0x2C00, s0;
	[sflag:s18] =	ssyncadd.s32 $0xFFFFE000  }
0x97: {  	[hbm4b:s13+s4] =	stream.linear.scatter [tilespmem:s15], [sflag:$0xC], $0x2000, $0x38;
	[tilespmem:$0x17400] =	vst v63  }
0x98: {  	_ =	swait.ge [sflag:s19], $0x2000  }
0x99: {  	[sflag:s19] =	ssyncset.done $0x0  }
0x9a: {  	s18 =	simm.s32 $0xA00;
	[sflag:s19] =	ssyncadd.s32 $0xFFFFE000  }
0x9b: {  	[tilespmem:s14], [sflag:$0x1] =	stream.indirect.gather [hbm4b:s1+s29], $0x80, s18, s29, $0xb8;
	[tilespmem:$0x17400] =	vst v63  }
0x9c: {  	_ =	swait.ge [sflag:s31], $0x2000  }
0x9d: {  	[sflag:s31] =	ssyncset.done $0x0  }
0x9e: {  	s19 =	sadd.s32 $0x3000, s0;
	[sflag:s31] =	ssyncadd.s32 $0xFFFFE000  }
0x9f: {  	[hbm4b:s19+s4] =	stream.linear.scatter [tilespmem:s16], [sflag:$0xD], $0x2000, $0x38;
	[tilespmem:$0x17400] =	vst v63  }
0xa0: {  	_ =	swait.ge [sflag:s9], $0x2000  }
0xa1: {  	[sflag:s9] =	ssyncset.done $0x0  }
0xa2: {  	[sflag:s9] =	ssyncadd.s32 $0xFFFFE000;
	s9 =	simm.s32 $0xA80  }
0xa3: {  	[tilespmem:s15], [sflag:$0x2] =	stream.indirect.gather [hbm4b:s1+s29], $0x80, s9, s29, $0xb8;
	[tilespmem:$0x17400] =	vst v63  }
0xa4: {  	_ =	swait.ge [sflag:s10], $0x2000  }
0xa5: {  	[sflag:s10] =	ssyncset.done $0x0  }
0xa6: {  	[sflag:s10] =	ssyncadd.s32 $0xFFFFE000;
	s10 =	sadd.s32 $0x3400, s0  }
0xa7: {  	[hbm4b:s10+s4] =	stream.linear.scatter [tilespmem:s17], [sflag:$0xE], $0x2000, $0x38;
	[tilespmem:$0x17400] =	vst v63  }
0xa8: {  	_ =	swait.ge [sflag:s11], $0x2000  }
0xa9: {  	[sflag:s11] =	ssyncset.done $0x0  }
0xaa: {  	s13 =	simm.s32 $0xB00;
	[sflag:s11] =	ssyncadd.s32 $0xFFFFE000  }
0xab: {  	[tilespmem:s16], [sflag:$0x3] =	stream.indirect.gather [hbm4b:s1+s29], $0x80, s13, s29, $0xb8;
	[tilespmem:$0x17400] =	vst v63  }
0xac: {  	_ =	swait.ge [sflag:s12], $0x2000  }
0xad: {  	[sflag:s12] =	ssyncset.done $0x0  }
0xae: {  	s14 =	sadd.s32 $0x3800, s0;
	s15 =	simm.s32 $0xB400;
	[sflag:s12] =	ssyncadd.s32 $0xFFFFE000  }
0xaf: {  	[hbm4b:s14+s4] =	stream.linear.scatter [tilespmem:s15], [sflag:$0xF], $0x2000, $0x38;
	[tilespmem:$0x17400] =	vst v63  }
0xb0: {  	_ =	swait.ge [sflag:s20], $0x2000  }
0xb1: {  	[sflag:s20] =	ssyncset.done $0x0  }
0xb2: {  	s16 =	simm.s32 $0xB80;
	[sflag:s20] =	ssyncadd.s32 $0xFFFFE000  }
0xb3: {  	[tilespmem:s17], [sflag:$0x4] =	stream.indirect.gather [hbm4b:s1+s29], $0x80, s16, s29, $0xb8;
	[tilespmem:$0x17400] =	vst v63  }
0xb4: {  	_ =	swait.ge [sflag:s21], $0x2000  }
0xb5: {  	[sflag:s21] =	ssyncset.done $0x0  }
0xb6: {  	s18 =	simm.s32 $0xD400;
	s17 =	sadd.s32 $0x3C00, s0;
	[sflag:s21] =	ssyncadd.s32 $0xFFFFE000  }
0xb7: {  	[hbm4b:s17+s4] =	stream.linear.scatter [tilespmem:s18], [sflag:$0x10], $0x2000, $0x38;
	[tilespmem:$0x17400] =	vst v63  }
0xb8: {  	_ =	swait.ge [sflag:s22], $0x2000  }
0xb9: {  	[sflag:s22] =	ssyncset.done $0x0  }
0xba: {  	s19 =	simm.s32 $0xC00;
	[sflag:s22] =	ssyncadd.s32 $0xFFFFE000  }
0xbb: {  	[tilespmem:s15], [sflag:$0x5] =	stream.indirect.gather [hbm4b:s1+s29], $0x80, s19, s29, $0xb8;
	[tilespmem:$0x17400] =	vst v63  }
0xbc: {  	_ =	swait.ge [sflag:s23], $0x2000  }
0xbd: {  	[sflag:s23] =	ssyncset.done $0x0  }
0xbe: {  	s11 =	sadd.s32 $0x4000, s0;
	s12 =	simm.s32 $0xF400;
	[sflag:s23] =	ssyncadd.s32 $0xFFFFE000  }
0xbf: {  	[hbm4b:s11+s4] =	stream.linear.scatter [tilespmem:s12], [sflag:$0x11], $0x2000, $0x38;
	[tilespmem:$0x17400] =	vst v63  }
0xc0: {  	_ =	swait.ge [sflag:s24], $0x2000  }
0xc1: {  	[sflag:s24] =	ssyncset.done $0x0  }
0xc2: {  	s13 =	simm.s32 $0xC80;
	[sflag:s24] =	ssyncadd.s32 $0xFFFFE000  }
0xc3: {  	[tilespmem:s18], [sflag:$0x6] =	stream.indirect.gather [hbm4b:s1+s29], $0x80, s13, s29, $0xb8;
	[tilespmem:$0x17400] =	vst v63  }
0xc4: {  	_ =	swait.ge [sflag:s25], $0x2000  }
0xc5: {  	[sflag:s25] =	ssyncset.done $0x0  }
0xc6: {  	s14 =	sadd.s32 $0x4400, s0;
	s15 =	simm.s32 $0x11400;
	[sflag:s25] =	ssyncadd.s32 $0xFFFFE000  }
0xc7: {  	[hbm4b:s14+s4] =	stream.linear.scatter [tilespmem:s15], [sflag:$0x12], $0x2000, $0x38;
	[tilespmem:$0x17400] =	vst v63  }
0xc8: {  	_ =	swait.ge [sflag:s26], $0x2000  }
0xc9: {  	[sflag:s26] =	ssyncset.done $0x0  }
0xca: {  	s16 =	simm.s32 $0xD00;
	[sflag:s26] =	ssyncadd.s32 $0xFFFFE000  }
0xcb: {  	[tilespmem:s12], [sflag:$0x7] =	stream.indirect.gather [hbm4b:s1+s29], $0x80, s16, s29, $0xb8;
	[tilespmem:$0x17400] =	vst v63  }
0xcc: {  	_ =	swait.ge [sflag:s5], $0x2000  }
0xcd: {  	[sflag:s5] =	ssyncset.done $0x0  }
0xce: {  	s0 =	sadd.s32 $0x4800, s0;
	s17 =	simm.s32 $0x13400;
	[sflag:s5] =	ssyncadd.s32 $0xFFFFE000  }
0xcf: {  	[hbm4b:s0+s4] =	stream.linear.scatter [tilespmem:s17], [sflag:$0x13], $0x2000, $0x38;
	[tilespmem:$0x17400] =	vst v63  }
0xd0: {  	_ =	swait.ge [sflag:s3], $0x2000  }
0xd1: {  	[sflag:s3] =	ssyncset.done $0x0  }
0xd2: {  	s18 =	simm.s32 $0xD80;
	[sflag:s3] =	ssyncadd.s32 $0xFFFFE000  }
0xd3: {  	[tilespmem:s15], [sflag:$0x8] =	stream.indirect.gather [hbm4b:s1+s29], $0x80, s18, s29, $0xb8;
	[tilespmem:$0x17400] =	vst v63  }
0xd4: {  	_ =	swait.ge [sflag:s28], $0x2000  }
0xd5: {  	s19 =	rddreg [dreg:$0x5];
	[sflag:s28] =	ssyncset.done $0x0  }
0xd6: {  	s8 =	simm.s32 $0x15400;
	[sflag:s28] =	ssyncadd.s32 $0xFFFFE000;
	s0 =	sadd.s32 s7, s19  }
0xd7: {  	[hbm4b:s0+s4] =	stream.linear.scatter [tilespmem:s8], [sflag:$0x14], $0x2000, $0x38;
	[tilespmem:$0x17400] =	vst v63  }
0xd8: {  	_ =	swait.ge [sflag:s30], $0x2000  }
0xd9: {  	s6 =	simm.s32 $0xE00;
	[sflag:s30] =	ssyncset.done $0x0  }
0xda: {  	s31 =	simm.s32 $0x1400;
	s0 =	sadd.s32 $0x2800, s7;
	[sflag:s30] =	ssyncadd.s32 $0xFFFFE000  }
.LBB2_2:
0xdb: {  	s18 =	simm.s32 $0x13400;
	s8 =	simm.s32 $0x1  }
0xdc: {  	[tilespmem:s18], [sflag:$0x9] =	stream.indirect.gather [hbm4b:s1+s29], $0x80, s6, s29, $0xb8;
	[tilespmem:$0x17400] =	vst v63  }
0xdd: {  	_ =	swait.ge [sflag:s8], $0x2000  }
0xde: {  	s7 =	rddreg [dreg:$0x4]  }
0xdf: {  	[sflag:s8] =	ssyncset.done $0x0;
	s7 =	sadd.s32 s0, s7  }
0xe0: {  	s10 =	simm.s32 $0x3400;
	[sflag:s8] =	ssyncadd.s32 $0xFFFFE000;
	s15 =	sadd.s32 $0x2800, s7  }
0xe1: {  	[hbm4b:s15+s4] =	stream.linear.scatter [tilespmem:s10], [sflag:$0xB], $0x2000, $0x38;
	[tilespmem:$0x17400] =	vst v63  }
0xe2: {  	s14 =	smov.u32 s31;
	_ =	swait.ge [sflag:s2], $0x2000  }
0xe3: {  	s19 =	simm.s32 $0x15400;
	s6 =	sshra.s32 s14, $0x2;
	[sflag:s2] =	ssyncset.done $0x0  }
0xe4: {  	s17 =	simm.s32 $0x2;
	s16 =	sadd.s32 $0x980, s6;
	[sflag:s2] =	ssyncadd.s32 $0xFFFFE000  }
0xe5: {  	[tilespmem:s19], [sflag:$0xA] =	stream.indirect.gather [hbm4b:s1+s29], $0x80, s16, s29, $0xb8;
	[tilespmem:$0x17400] =	vst v63  }
0xe6: {  	_ =	swait.ge [sflag:s17], $0x2000  }
0xe7: {  	s11 =	simm.s32 $0x5400;
	[sflag:s17] =	ssyncset.done $0x0  }
0xe8: {  	s12 =	simm.s32 $0xB;
	s9 =	sadd.s32 $0x2C00, s7;
	[sflag:s17] =	ssyncadd.s32 $0xFFFFE000  }
0xe9: {  	[hbm4b:s9+s4] =	stream.linear.scatter [tilespmem:s11], [sflag:$0xC], $0x2000, $0x38;
	[tilespmem:$0x17400] =	vst v63  }
0xea: {  	_ =	swait.ge [sflag:s12], $0x2000  }
0xeb: {  	[sflag:s12] =	ssyncset.done $0x0  }
0xec: {  	s14 =	simm.s32 $0x3;
	s13 =	sadd.s32 $0xA00, s6;
	[sflag:s12] =	ssyncadd.s32 $0xFFFFE000  }
0xed: {  	[tilespmem:s10], [sflag:$0x1] =	stream.indirect.gather [hbm4b:s1+s29], $0x80, s13, s29, $0xb8;
	[tilespmem:$0x17400] =	vst v63  }
0xee: {  	_ =	swait.ge [sflag:s14], $0x2000  }
0xef: {  	s15 =	sadd.s32 $0x3000, s7;
	[sflag:s14] =	ssyncset.done $0x0  }
0xf0: {  	s16 =	simm.s32 $0xC;
	s12 =	simm.s32 $0x7400;
	[sflag:s14] =	ssyncadd.s32 $0xFFFFE000  }
0xf1: {  	[hbm4b:s15+s4] =	stream.linear.scatter [tilespmem:s12], [sflag:$0xD], $0x2000, $0x38;
	[tilespmem:$0x17400] =	vst v63  }
0xf2: {  	_ =	swait.ge [sflag:s16], $0x2000  }
0xf3: {  	[sflag:s16] =	ssyncset.done $0x0  }
0xf4: {  	s17 =	sadd.s32 $0xA80, s6;
	s13 =	simm.s32 $0x4;
	[sflag:s16] =	ssyncadd.s32 $0xFFFFE000  }
0xf5: {  	[tilespmem:s11], [sflag:$0x2] =	stream.indirect.gather [hbm4b:s1+s29], $0x80, s17, s29, $0xb8;
	[tilespmem:$0x17400] =	vst v63  }
0xf6: {  	_ =	swait.ge [sflag:s13], $0x2000  }
0xf7: {  	s14 =	sadd.s32 $0x3400, s7;
	[sflag:s13] =	ssyncset.done $0x0  }
0xf8: {  	s15 =	simm.s32 $0xD;
	[sflag:s13] =	ssyncadd.s32 $0xFFFFE000;
	s13 =	simm.s32 $0x9400  }
0xf9: {  	[hbm4b:s14+s4] =	stream.linear.scatter [tilespmem:s13], [sflag:$0xE], $0x2000, $0x38;
	[tilespmem:$0x17400] =	vst v63  }
0xfa: {  	_ =	swait.ge [sflag:s15], $0x2000  }
0xfb: {  	[sflag:s15] =	ssyncset.done $0x0  }
0xfc: {  	s16 =	sadd.s32 $0xB00, s6;
	s17 =	simm.s32 $0x5;
	[sflag:s15] =	ssyncadd.s32 $0xFFFFE000  }
0xfd: {  	[tilespmem:s12], [sflag:$0x3] =	stream.indirect.gather [hbm4b:s1+s29], $0x80, s16, s29, $0xb8;
	[tilespmem:$0x17400] =	vst v63  }
0xfe: {  	_ =	swait.ge [sflag:s17], $0x2000  }
0xff: {  	[sflag:s17] =	ssyncset.done $0x0  }
0x100: {  	s14 =	simm.s32 $0xB400;
	s12 =	sadd.s32 $0x3800, s7;
	[sflag:s17] =	ssyncadd.s32 $0xFFFFE000  }
0x101: {  	[hbm4b:s12+s4] =	stream.linear.scatter [tilespmem:s14], [sflag:$0xF], $0x2000, $0x38;
	[tilespmem:$0x17400] =	vst v63  }
0x102: {  	_ =	swait.ge [sflag:s20], $0x2000  }
0x103: {  	[sflag:s20] =	ssyncset.done $0x0  }
0x104: {  	s15 =	sadd.s32 $0xB80, s6;
	[sflag:s20] =	ssyncadd.s32 $0xFFFFE000  }
0x105: {  	[tilespmem:s13], [sflag:$0x4] =	stream.indirect.gather [hbm4b:s1+s29], $0x80, s15, s29, $0xb8;
	[tilespmem:$0x17400] =	vst v63  }
0x106: {  	_ =	swait.ge [sflag:s21], $0x2000  }
0x107: {  	[sflag:s21] =	ssyncset.done $0x0  }
0x108: {  	s16 =	sadd.s32 $0x3C00, s7;
	s15 =	simm.s32 $0xD400;
	[sflag:s21] =	ssyncadd.s32 $0xFFFFE000  }
0x109: {  	[hbm4b:s16+s4] =	stream.linear.scatter [tilespmem:s15], [sflag:$0x10], $0x2000, $0x38;
	[tilespmem:$0x17400] =	vst v63  }
0x10a: {  	_ =	swait.ge [sflag:s22], $0x2000  }
0x10b: {  	[sflag:s22] =	ssyncset.done $0x0  }
0x10c: {  	s17 =	sadd.s32 $0xC00, s6;
	[sflag:s22] =	ssyncadd.s32 $0xFFFFE000  }
0x10d: {  	[tilespmem:s14], [sflag:$0x5] =	stream.indirect.gather [hbm4b:s1+s29], $0x80, s17, s29, $0xb8;
	[tilespmem:$0x17400] =	vst v63  }
0x10e: {  	_ =	swait.ge [sflag:s23], $0x2000  }
0x10f: {  	[sflag:s23] =	ssyncset.done $0x0  }
0x110: {  	s16 =	simm.s32 $0xF400;
	s14 =	sadd.s32 $0x4000, s7;
	[sflag:s23] =	ssyncadd.s32 $0xFFFFE000  }
0x111: {  	[hbm4b:s14+s4] =	stream.linear.scatter [tilespmem:s16], [sflag:$0x11], $0x2000, $0x38;
	[tilespmem:$0x17400] =	vst v63  }
0x112: {  	_ =	swait.ge [sflag:s24], $0x2000  }
0x113: {  	[sflag:s24] =	ssyncset.done $0x0  }
0x114: {  	s17 =	sadd.s32 $0xC80, s6;
	[sflag:s24] =	ssyncadd.s32 $0xFFFFE000  }
0x115: {  	[tilespmem:s15], [sflag:$0x6] =	stream.indirect.gather [hbm4b:s1+s29], $0x80, s17, s29, $0xb8;
	[tilespmem:$0x17400] =	vst v63  }
0x116: {  	_ =	swait.ge [sflag:s25], $0x2000  }
0x117: {  	[sflag:s25] =	ssyncset.done $0x0  }
0x118: {  	s15 =	sadd.s32 $0x4400, s7;
	s17 =	simm.s32 $0x11400;
	[sflag:s25] =	ssyncadd.s32 $0xFFFFE000  }
0x119: {  	[hbm4b:s15+s4] =	stream.linear.scatter [tilespmem:s17], [sflag:$0x12], $0x2000, $0x38;
	[tilespmem:$0x17400] =	vst v63  }
0x11a: {  	_ =	swait.ge [sflag:s26], $0x2000  }
0x11b: {  	[sflag:s26] =	ssyncset.done $0x0  }
0x11c: {  	s8 =	sadd.s32 $0xD00, s6;
	[sflag:s26] =	ssyncadd.s32 $0xFFFFE000  }
0x11d: {  	[tilespmem:s16], [sflag:$0x7] =	stream.indirect.gather [hbm4b:s1+s29], $0x80, s8, s29, $0xb8;
	[tilespmem:$0x17400] =	vst v63  }
0x11e: {  	_ =	swait.ge [sflag:s5], $0x2000  }
0x11f: {  	[sflag:s5] =	ssyncset.done $0x0  }
0x120: {  	s7 =	sadd.s32 $0x4800, s7;
	[sflag:s5] =	ssyncadd.s32 $0xFFFFE000  }
0x121: {  	[hbm4b:s7+s4] =	stream.linear.scatter [tilespmem:s18], [sflag:$0x13], $0x2000, $0x38;
	[tilespmem:$0x17400] =	vst v63  }
0x122: {  	_ =	swait.ge [sflag:s3], $0x2000  }
0x123: {  	p0 =	sne.s32 s31, $0x8C00;
	s31 =	sadd.s32 $0x1400, s31;
	[sflag:s3] =	ssyncset.done $0x0  }
0x124: {  	s9 =	simm.s32 $0x3400;
	s16 =	sadd.s32 $0xD80, s6;
	[sflag:s3] =	ssyncadd.s32 $0xFFFFE000  }
0x125: {  	[tilespmem:s17], [sflag:$0x8] =	stream.indirect.gather [hbm4b:s1+s29], $0x80, s16, s29, $0xb8;
	[tilespmem:$0x17400] =	vst v63  }
0x126: {  	s10 =	simm.s32 $0x5400;
	s11 =	simm.s32 $0x7400;
	_ =	swait.ge [sflag:s28], $0x2000  }
0x127: {  	s12 =	simm.s32 $0x9400;
	s18 =	rddreg [dreg:$0x5];
	[sflag:s28] =	ssyncset.done $0x0  }
.Ltmp0:
0x128: {  	[sflag:s28] =	ssyncadd.s32 $0xFFFFE000;
	s7 =	sadd.s32 s0, s18;
	(pc) =	sbr.rel @p0 .LBB2_2-.Ltmp0, $4  }
0x129: {  	[hbm4b:s7+s4] =	stream.linear.scatter [tilespmem:s19], [sflag:$0x14], $0x2000, $0x38;
	[tilespmem:$0x17400] =	vst v63  }
0x12a: {  	s13 =	simm.s32 $0xB400;
	s14 =	simm.s32 $0xD400;
	_ =	swait.ge [sflag:s30], $0x2000  }
0x12b: {  	s15 =	simm.s32 $0xF400;
	s8 =	simm.s32 $0x11400;
	[sflag:s30] =	ssyncset.done $0x0  }
0x12c: {  	s6 =	sadd.s32 $0xE00, s6;
	s0 =	sadd.s32 $0x2800, s0;
	[sflag:s30] =	ssyncadd.s32 $0xFFFFE000  }
0x12d: {  	s7 =	simm.s32 $0x13400;
	s0 =	simm.s32 $0x1  }
0x12e: {  	[tilespmem:s7], [sflag:$0x9] =	stream.indirect.gather [hbm4b:s1+s29], $0x80, s6, s29, $0xb8;
	[tilespmem:$0x17400] =	vst v63  }
0x12f: {  	_ =	swait.ge [sflag:s0], $0x2000  }
0x130: {  	[sflag:s0] =	ssyncset.done $0x0  }
0x131: {  	s19 =	rddreg [dreg:$0x10];
	[sflag:s0] =	ssyncadd.s32 $0xFFFFE000  }
0x132: {  	[hbm4b:s19+s4] =	stream.linear.scatter [tilespmem:s9], [sflag:$0xB], $0x2000, $0x38;
	[tilespmem:$0x17400] =	vst v63  }
0x133: {  	_ =	swait.ge [sflag:s2], $0x2000  }
0x134: {  	s31 =	simm.s32 $0x3180;
	[sflag:s2] =	ssyncset.done $0x0  }
0x135: {  	s6 =	simm.s32 $0x15400;
	s9 =	simm.s32 $0x2;
	[sflag:s2] =	ssyncadd.s32 $0xFFFFE000  }
0x136: {  	[tilespmem:s6], [sflag:$0xA] =	stream.indirect.gather [hbm4b:s1+s29], $0x80, s31, s29, $0xb8;
	[tilespmem:$0x17400] =	vst v63  }
0x137: {  	_ =	swait.ge [sflag:s9], $0x2000  }
0x138: {  	[sflag:s9] =	ssyncset.done $0x0  }
0x139: {  	s17 =	simm.s32 $0x3;
	s16 =	rddreg [dreg:$0x11];
	[sflag:s9] =	ssyncadd.s32 $0xFFFFE000  }
0x13a: {  	[hbm4b:s16+s4] =	stream.linear.scatter [tilespmem:s10], [sflag:$0xC], $0x2000, $0x38;
	[tilespmem:$0x17400] =	vst v63  }
0x13b: {  	_ =	swait.ge [sflag:s17], $0x2000  }
0x13c: {  	[sflag:s17] =	ssyncset.done $0x0  }
0x13d: {  	s19 =	simm.s32 $0x4;
	s18 =	rddreg [dreg:$0x12];
	[sflag:s17] =	ssyncadd.s32 $0xFFFFE000  }
0x13e: {  	[hbm4b:s18+s4] =	stream.linear.scatter [tilespmem:s11], [sflag:$0xD], $0x2000, $0x38;
	[tilespmem:$0x17400] =	vst v63  }
0x13f: {  	_ =	swait.ge [sflag:s19], $0x2000  }
0x140: {  	[sflag:s19] =	ssyncset.done $0x0  }
0x141: {  	s9 =	simm.s32 $0x5;
	s31 =	rddreg [dreg:$0x13];
	[sflag:s19] =	ssyncadd.s32 $0xFFFFE000  }
0x142: {  	[hbm4b:s31+s4] =	stream.linear.scatter [tilespmem:s12], [sflag:$0xE], $0x2000, $0x38;
	[tilespmem:$0x17400] =	vst v63  }
0x143: {  	_ =	swait.ge [sflag:s9], $0x2000  }
0x144: {  	[sflag:s9] =	ssyncset.done $0x0  }
0x145: {  	s10 =	rddreg [dreg:$0x14];
	[sflag:s9] =	ssyncadd.s32 $0xFFFFE000  }
0x146: {  	[hbm4b:s10+s4] =	stream.linear.scatter [tilespmem:s13], [sflag:$0xF], $0x2000, $0x38;
	[tilespmem:$0x17400] =	vst v63  }
0x147: {  	_ =	swait.ge [sflag:s21], $0x2000  }
0x148: {  	[sflag:s21] =	ssyncset.done $0x0  }
0x149: {  	s11 =	rddreg [dreg:$0x15];
	[sflag:s21] =	ssyncadd.s32 $0xFFFFE000  }
0x14a: {  	[hbm4b:s11+s4] =	stream.linear.scatter [tilespmem:s14], [sflag:$0x10], $0x2000, $0x38;
	[tilespmem:$0x17400] =	vst v63  }
0x14b: {  	_ =	swait.ge [sflag:s23], $0x2000  }
0x14c: {  	[sflag:s23] =	ssyncset.done $0x0  }
0x14d: {  	s12 =	rddreg [dreg:$0x16];
	[sflag:s23] =	ssyncadd.s32 $0xFFFFE000  }
0x14e: {  	[hbm4b:s12+s4] =	stream.linear.scatter [tilespmem:s15], [sflag:$0x11], $0x2000, $0x38;
	[tilespmem:$0x17400] =	vst v63  }
0x14f: {  	_ =	swait.ge [sflag:s25], $0x2000  }
0x150: {  	[sflag:s25] =	ssyncset.done $0x0  }
0x151: {  	s13 =	rddreg [dreg:$0x17];
	[sflag:s25] =	ssyncadd.s32 $0xFFFFE000  }
0x152: {  	[hbm4b:s13+s4] =	stream.linear.scatter [tilespmem:s8], [sflag:$0x12], $0x2000, $0x38;
	[tilespmem:$0x17400] =	vst v63  }
0x153: {  	_ =	swait.ge [sflag:s5], $0x2000  }
0x154: {  	[sflag:s5] =	ssyncset.done $0x0  }
0x155: {  	s14 =	rddreg [dreg:$0x18];
	[sflag:s5] =	ssyncadd.s32 $0xFFFFE000  }
0x156: {  	[hbm4b:s14+s4] =	stream.linear.scatter [tilespmem:s7], [sflag:$0x13], $0x2000, $0x38;
	[tilespmem:$0x17400] =	vst v63  }
0x157: {  	_ =	swait.ge [sflag:s28], $0x2000  }
0x158: {  	[sflag:s28] =	ssyncset.done $0x0  }
0x159: {  	s16 =	simm.s32 $0xB;
	s15 =	rddreg [dreg:$0x19];
	[sflag:s28] =	ssyncadd.s32 $0xFFFFE000  }
0x15a: {  	[hbm4b:s15+s4] =	stream.linear.scatter [tilespmem:s6], [sflag:$0x14], $0x2000, $0x38;
	[tilespmem:$0x17400] =	vst v63  }
0x15b: {  	_ =	swait.ge [sflag:s16], $0x2000  }
0x15c: {  	[sflag:s16] =	ssyncset.done $0x0  }
0x15d: {  	s17 =	simm.s32 $0xC;
	[sflag:s16] =	ssyncadd.s32 $0xFFFFE000  }
0x15e: {  	_ =	swait.ge [sflag:s17], $0x2000  }
0x15f: {  	[sflag:s17] =	ssyncset.done $0x0  }
0x160: {  	s18 =	simm.s32 $0xD;
	[sflag:s17] =	ssyncadd.s32 $0xFFFFE000  }
0x161: {  	_ =	swait.ge [sflag:s18], $0x2000  }
0x162: {  	[sflag:s18] =	ssyncset.done $0x0  }
0x163: {  	[sflag:s18] =	ssyncadd.s32 $0xFFFFE000  }
0x164: {  	_ =	swait.ge [sflag:s20], $0x2000  }
0x165: {  	[sflag:s20] =	ssyncset.done $0x0  }
0x166: {  	[sflag:s20] =	ssyncadd.s32 $0xFFFFE000  }
0x167: {  	_ =	swait.ge [sflag:s22], $0x2000  }
0x168: {  	[sflag:s22] =	ssyncset.done $0x0  }
0x169: {  	[sflag:s22] =	ssyncadd.s32 $0xFFFFE000  }
0x16a: {  	_ =	swait.ge [sflag:s24], $0x2000  }
0x16b: {  	[sflag:s24] =	ssyncset.done $0x0  }
0x16c: {  	[sflag:s24] =	ssyncadd.s32 $0xFFFFE000  }
0x16d: {  	_ =	swait.ge [sflag:s26], $0x2000  }
0x16e: {  	[sflag:s26] =	ssyncset.done $0x0  }
0x16f: {  	[sflag:s26] =	ssyncadd.s32 $0xFFFFE000  }
0x170: {  	_ =	swait.ge [sflag:s3], $0x2000  }
0x171: {  	[sflag:s3] =	ssyncset.done $0x0  }
0x172: {  	[sflag:s3] =	ssyncadd.s32 $0xFFFFE000  }
0x173: {  	_ =	swait.ge [sflag:s30], $0x2000  }
0x174: {  	[sflag:s30] =	ssyncset.done $0x0  }
0x175: {  	[sflag:s30] =	ssyncadd.s32 $0xFFFFE000  }
0x176: {  	_ =	swait.ge [sflag:s2], $0x2000  }
0x177: {  	s19 =	rddreg [dreg:$0x1c]  }
0x178: {  	s31 =	rddreg [dreg:$0x1a];
	s6 =	sadd.s32 $0x1, s19  }
0x179: {  	p0 =	sne.s32 s6, s31  }
.Ltmp1:
0x17a: {  	_ = 	snop;
	(pc) =	sbr.rel @p0 .LBB2_1-.Ltmp1, $3  }
0x17b: {  	_ =	sdelay $0x1  }
0x17c: {  	[sflag:s2] =	ssyncset.done $0x0  }
0x17d: {  	[sflag:s2] =	ssyncadd.s32 $0xFFFFE000  }
0x17e: {  	_ =	sfence.sel $0x180000  }
0x17f: {  	[bflag:$0x0] =	sbarrier.arrive $0xFFFF  }
0x180: {  	_ =	strace $0x90000047  }
0x181: {  	s0 =	stileid.u32;
	[bflag:$0x2] =	sbarrier.arrive $0xFFFF  }
0x182: {  	p0 =	sne.s32 s0, $0x0;
	s0 =	rddreg [dreg:$0x3]  }
0x183: {  	s0 =	sadd.s32 @!p0 $0x100000, s0  }
0x184: {  	[sflag:s0] =	ssyncadd.tile.s32 @!p0 $0x1;
	_ =	shalt  }
.Lfunc_end2:
_tile_overlayer_lowered:
.L_overlay_start_2:
0x185: {  	(tag) =	ssettag $0x2  }
0x186: {  	s0 =	rddreg [dreg:$0x0];
	s2 =	stileid.u32  }
0x187: {  	s1 =	rddreg [dreg:$0x1];
	p0 =	sne.s32 s2, $0x0  }
0x188: {  	s3 =	rddreg [dreg:$0x2];
	[bflag:$0x3] =	sbarrier.arrive $0xFFFF;
	s2 =	simm.s32 @!p0 $0x1C15  }
0x189: {  	[timem:s3], [sflag:s2] =	dma.local @!p0 [hbm:s0], s1  }
0x18a: {  	s0 =	simm.s32 @!p0 $0x15  }
0x18b: {  	_ =	swait.ge @!p0 [sflag:s0], s1  }
0x18c: {  	s1 =	ssub.s32 @!p0 $0x0, s1;
	[sflag:s0] =	ssyncset.done @!p0 $0x0  }
0x18d: {  	[sflag:s0] =	ssyncadd.s32 @!p0 s1  }
0x18e: {  	[bflag:$0x3] =	sbarrier.arrive $0xFFFF  }
0x18f: {  	_ =	shalt  }

</sc_bundles>
